<compile_context>
chip_gen: v7x
topology: tpu7x:2x2x1
jax: 0.10.2.dev20260603
libtpu: 0.0.44.dev20260713+nightly
codegen_flags: <defaults>
</compile_context>

<pallas_src>
import functools

import jax
import jax.numpy as jnp
from jax import lax
from jax.experimental import pallas as pl
from jax.experimental.pallas import tpu as pltpu
from jax.experimental.pallas import tpu_sc as plsc

B, S, H = 1024, 200, 128
N = B * S
NUM_WORKERS = 32
ROWS_PER_W = N // NUM_WORKERS
CHUNK = 64
N_CHUNKS = ROWS_PER_W // CHUNK
NBUF = 10
NPAIR = NBUF // 5

_mesh = plsc.VectorSubcoreMesh(core_axis_name="c", subcore_axis_name="s")


@functools.partial(
    pl.kernel,
    mesh=_mesh,
    out_type=jax.ShapeDtypeStruct((N, H), jnp.float32),
    scratch_types=(
        [pltpu.VMEM((N_CHUNKS, CHUNK), jnp.int32)]
        + [pltpu.VMEM((NBUF * CHUNK, H), jnp.float32)]
        + [pltpu.SemaphoreType.DMA for _ in range(NBUF + NPAIR)]
    ),
)
def _gather_kernel(idx_hbm, table_hbm, out_hbm, idx_v, buf, *sems):
    gs = sems[:NBUF]
    ws = sems[NBUF:]
    wid = lax.axis_index("s") * 2 + lax.axis_index("c")
    base = wid * ROWS_PER_W
    pltpu.sync_copy(idx_hbm.at[wid], idx_v)

    def gather_desc(c, b):
        return pltpu.make_async_copy(
            table_hbm.at[idx_v.at[c]], buf.at[pl.ds(b * CHUNK, CHUNK)], gs[b])

    def write_desc(c, p):
        return pltpu.make_async_copy(
            buf.at[pl.ds(5 * p * CHUNK, 5 * CHUNK)],
            out_hbm.at[pl.ds(base + c * CHUNK, 5 * CHUNK)],
            ws[p])

    for b in range(NBUF):
        gather_desc(b, b).start()

    def body(i, _):
        cbase = i * NBUF
        for p in range(NPAIR):
            b = 5 * p
            for j in range(5):
                gather_desc(cbase + b + j, b + j).wait()
            write_desc(cbase + b, p).start()
        for p in range(NPAIR):
            b = 5 * p
            c = cbase + b + NBUF

            @pl.when(c < N_CHUNKS)
            def _(c=c, b=b, p=p):
                write_desc(c - NBUF, p).wait()
                for j in range(5):
                    gather_desc(c + j, b + j).start()

        return ()

    lax.fori_loop(0, N_CHUNKS // NBUF, body, (), unroll=False)

    cL = N_CHUNKS - NBUF
    for p in range(NPAIR):
        write_desc(cL + 5 * p, p).wait()


def kernel(x, embedding):
    idx = x.reshape(NUM_WORKERS, N_CHUNKS, CHUNK)
    out = _gather_kernel(idx, embedding)
    return out.reshape(B, S, H)

# --- scband reference (transcript-rebuilt; emitter-appended) ---
"""Pipeline reference for scband-encoder-8667244003384 (READ-ONLY COPY).

The authoritative reference and input builder live on the scoring server;
editing this copy changes nothing except your own understanding.
"""

import jax, jax.numpy as jnp
import numpy as np

VOCAB = 100000
HIDDEN = 128
BATCH = 1024
SEQ = 200

def setup_inputs(seed: int = 0) -> dict:
    key = jax.random.key(seed)
    k_idx, k_emb = jax.random.split(key)
    x = jax.random.randint(k_idx, (BATCH, SEQ), 0, VOCAB, dtype=jnp.int64 if jax.config.jax_enable_x64 else jnp.int32).astype(jnp.int32)
    embedding = jax.random.normal(k_emb, (VOCAB, HIDDEN), dtype=jnp.float32) * 0.02
    return {"x": x, "embedding": embedding}

def reference(x, embedding):
    # Faithful translation of the module's only concrete computation:
    # nn.Embedding(vocab_size, hidden_size) applied to token indices x.
    # (The torch forward body is a stub `pass`; the embedding lookup is the
    #  canonical forward for this encoder's defined submodule.)
    out = jnp.take(embedding, x, axis=0)  # [B, S, H]
    return out

if __name__ == "__main__":
    import jax
    _d = setup_inputs()
    print(jax.jit(kernel)(*tuple(_d.values())))

</pallas_src>

<mosaic_0001>
#map = affine_map<(d0, d1) -> (0, 0, 0)>
#map1 = affine_map<(d0, d1) -> (0, 0)>
module attributes {stable_mosaic.version = 14 : i64} {
  func.func @_gather_kernel(%arg0: i32, %arg1: i32, %arg2: memref<32x100x64xi32, #tpu.memory_space<hbm>>, %arg3: memref<100000x128xf32, #tpu.memory_space<hbm>>, %arg4: memref<204800x128xf32, #tpu.memory_space<hbm>>, %arg5: memref<100x64xi32, #tpu.memory_space<vmem>>, %arg6: memref<640x128xf32, #tpu.memory_space<vmem>>, %arg7: memref<!tpu.dma_semaphore, #tpu.memory_space<semaphore_mem>>, %arg8: memref<!tpu.dma_semaphore, #tpu.memory_space<semaphore_mem>>, %arg9: memref<!tpu.dma_semaphore, #tpu.memory_space<semaphore_mem>>, %arg10: memref<!tpu.dma_semaphore, #tpu.memory_space<semaphore_mem>>, %arg11: memref<!tpu.dma_semaphore, #tpu.memory_space<semaphore_mem>>, %arg12: memref<!tpu.dma_semaphore, #tpu.memory_space<semaphore_mem>>, %arg13: memref<!tpu.dma_semaphore, #tpu.memory_space<semaphore_mem>>, %arg14: memref<!tpu.dma_semaphore, #tpu.memory_space<semaphore_mem>>, %arg15: memref<!tpu.dma_semaphore, #tpu.memory_space<semaphore_mem>>, %arg16: memref<!tpu.dma_semaphore, #tpu.memory_space<semaphore_mem>>, %arg17: memref<!tpu.dma_semaphore, #tpu.memory_space<semaphore_mem>>, %arg18: memref<!tpu.dma_semaphore, #tpu.memory_space<semaphore_mem>>) attributes {dimension_semantics = [#tpu.dimension_semantics<core_parallel>, #tpu.dimension_semantics<subcore_parallel>], iteration_bounds = array<i64: 2, 16>, scalar_prefetch = 0 : i64, scratch_operands = 14 : i64, tpu.core_type = #tpu.core_type<sc_vector_subcore>, window_params = [{transform_indices = #map}, {transform_indices = #map1}, {transform_indices = #map1}]} {
    %mul3A = arith.constant 2 : i32
    %mul3A_0 = arith.muli %arg1, %mul3A : i32
    %add3A = arith.addi %mul3A_0, %arg0 : i32
    %mul3A_1 = arith.constant 6400 : i32
    %mul3A_2 = arith.muli %add3A, %mul3A_1 : i32
    "tpu.region"() ({
      %run_scoped3A = tpu.sem_alloc : memref<!tpu.dma_semaphore, #tpu.memory_space<semaphore_mem>>
      %dma_start3A_129 = arith.constant 0 : i32
      %dma_start3A_130 = arith.constant 0 : i32
      %dma_start3A_131 = tpu.memref_slice %arg2[%add3A, %dma_start3A_129, %dma_start3A_130] : memref<32x100x64xi32, #tpu.memory_space<hbm>> -> memref<1x100x64xi32, #tpu.memory_space<hbm>>
      %dma_start3A_132 = tpu.memref_squeeze %dma_start3A_131 : memref<1x100x64xi32, #tpu.memory_space<hbm>> -> memref<100x64xi32, #tpu.memory_space<hbm>>
      %dma_start3A_133 = arith.constant 0 : i32
      %dma_start3A_134 = arith.constant 0 : i32
      %dma_start3A_135 = tpu.memref_slice %arg2[%add3A, %dma_start3A_133, %dma_start3A_134] : memref<32x100x64xi32, #tpu.memory_space<hbm>> -> memref<1x100x64xi32, #tpu.memory_space<hbm>>
      %dma_start3A_136 = tpu.memref_squeeze %dma_start3A_135 : memref<1x100x64xi32, #tpu.memory_space<hbm>> -> memref<100x64xi32, #tpu.memory_space<hbm>>
      tpu.enqueue_dma source(%dma_start3A_136 : memref<100x64xi32, #tpu.memory_space<hbm>>) target(%arg5 : memref<100x64xi32, #tpu.memory_space<vmem>>) target_semaphore(%run_scoped3A : memref<!tpu.dma_semaphore, #tpu.memory_space<semaphore_mem>>)
      %dma_wait3A_137 = arith.constant 0 : i32
      %dma_wait3A_138 = arith.constant 0 : i32
      %dma_wait3A_139 = tpu.memref_slice %arg2[%add3A, %dma_wait3A_137, %dma_wait3A_138] : memref<32x100x64xi32, #tpu.memory_space<hbm>> -> memref<1x100x64xi32, #tpu.memory_space<hbm>>
      %dma_wait3A_140 = tpu.memref_squeeze %dma_wait3A_139 : memref<1x100x64xi32, #tpu.memory_space<hbm>> -> memref<100x64xi32, #tpu.memory_space<hbm>>
      %dma_wait3A_141 = arith.constant 0 : i32
      %dma_wait3A_142 = arith.constant 0 : i32
      %dma_wait3A_143 = tpu.memref_slice %arg2[%add3A, %dma_wait3A_141, %dma_wait3A_142] : memref<32x100x64xi32, #tpu.memory_space<hbm>> -> memref<1x100x64xi32, #tpu.memory_space<hbm>>
      %dma_wait3A_144 = tpu.memref_squeeze %dma_wait3A_143 : memref<1x100x64xi32, #tpu.memory_space<hbm>> -> memref<100x64xi32, #tpu.memory_space<hbm>>
      tpu.wait_dma2 semaphore(%run_scoped3A : memref<!tpu.dma_semaphore, #tpu.memory_space<semaphore_mem>>) src(%dma_wait3A_144 : memref<100x64xi32, #tpu.memory_space<hbm>>) dst(%arg5 : memref<100x64xi32, #tpu.memory_space<vmem>>)
      tpu.yield
    }) : () -> ()
    %dma_start3A = arith.constant 0 : i32
    %dma_start3A_3 = arith.constant 0 : i32
    %dma_start3A_4 = arith.constant 0 : i32
    %dma_start3A_5 = tpu.memref_slice %arg6[%dma_start3A_3, %dma_start3A_4] : memref<640x128xf32, #tpu.memory_space<vmem>> -> memref<64x128xf32, #tpu.memory_space<vmem>>
    %dma_start3A_6 = arith.constant 0 : i32
    %dma_start3A_7 = tpu.memref_slice %arg5[%dma_start3A, %dma_start3A_6] : memref<100x64xi32, #tpu.memory_space<vmem>> -> memref<1x64xi32, #tpu.memory_space<vmem>>
    %dma_start3A_8 = tpu.memref_squeeze %dma_start3A_7 : memref<1x64xi32, #tpu.memory_space<vmem>> -> memref<64xi32, #tpu.memory_space<vmem>>
    %dma_start3A_9 = arith.constant 0 : i32
    %dma_start3A_10 = arith.constant 0 : i32
    %dma_start3A_11 = tpu.memref_slice %arg3[%dma_start3A_9, %dma_start3A_10] : memref<100000x128xf32, #tpu.memory_space<hbm>> -> memref<100000x128xf32, #tpu.memory_space<hbm>>
    tpu.enqueue_indirect_dma source(%dma_start3A_11 : memref<100000x128xf32, #tpu.memory_space<hbm>>) target(%dma_start3A_5 : memref<64x128xf32, #tpu.memory_space<vmem>>) offsets(%dma_start3A_8 : memref<64xi32, #tpu.memory_space<vmem>>) semaphore(%arg7 : memref<!tpu.dma_semaphore, #tpu.memory_space<semaphore_mem>>)
    %dma_start3A_12 = arith.constant 1 : i32
    %dma_start3A_13 = arith.constant 64 : i32
    %dma_start3A_14 = arith.constant 0 : i32
    %dma_start3A_15 = tpu.memref_slice %arg6[%dma_start3A_13, %dma_start3A_14] : memref<640x128xf32, #tpu.memory_space<vmem>> -> memref<64x128xf32, #tpu.memory_space<vmem>>
    %dma_start3A_16 = arith.constant 0 : i32
    %dma_start3A_17 = tpu.memref_slice %arg5[%dma_start3A_12, %dma_start3A_16] : memref<100x64xi32, #tpu.memory_space<vmem>> -> memref<1x64xi32, #tpu.memory_space<vmem>>
    %dma_start3A_18 = tpu.memref_squeeze %dma_start3A_17 : memref<1x64xi32, #tpu.memory_space<vmem>> -> memref<64xi32, #tpu.memory_space<vmem>>
    %dma_start3A_19 = arith.constant 0 : i32
    %dma_start3A_20 = arith.constant 0 : i32
    %dma_start3A_21 = tpu.memref_slice %arg3[%dma_start3A_19, %dma_start3A_20] : memref<100000x128xf32, #tpu.memory_space<hbm>> -> memref<100000x128xf32, #tpu.memory_space<hbm>>
    tpu.enqueue_indirect_dma source(%dma_start3A_21 : memref<100000x128xf32, #tpu.memory_space<hbm>>) target(%dma_start3A_15 : memref<64x128xf32, #tpu.memory_space<vmem>>) offsets(%dma_start3A_18 : memref<64xi32, #tpu.memory_space<vmem>>) semaphore(%arg8 : memref<!tpu.dma_semaphore, #tpu.memory_space<semaphore_mem>>)
    %dma_start3A_22 = arith.constant 2 : i32
    %dma_start3A_23 = arith.constant 128 : i32
    %dma_start3A_24 = arith.constant 0 : i32
    %dma_start3A_25 = tpu.memref_slice %arg6[%dma_start3A_23, %dma_start3A_24] : memref<640x128xf32, #tpu.memory_space<vmem>> -> memref<64x128xf32, #tpu.memory_space<vmem>>
    %dma_start3A_26 = arith.constant 0 : i32
    %dma_start3A_27 = tpu.memref_slice %arg5[%dma_start3A_22, %dma_start3A_26] : memref<100x64xi32, #tpu.memory_space<vmem>> -> memref<1x64xi32, #tpu.memory_space<vmem>>
    %dma_start3A_28 = tpu.memref_squeeze %dma_start3A_27 : memref<1x64xi32, #tpu.memory_space<vmem>> -> memref<64xi32, #tpu.memory_space<vmem>>
    %dma_start3A_29 = arith.constant 0 : i32
    %dma_start3A_30 = arith.constant 0 : i32
    %dma_start3A_31 = tpu.memref_slice %arg3[%dma_start3A_29, %dma_start3A_30] : memref<100000x128xf32, #tpu.memory_space<hbm>> -> memref<100000x128xf32, #tpu.memory_space<hbm>>
    tpu.enqueue_indirect_dma source(%dma_start3A_31 : memref<100000x128xf32, #tpu.memory_space<hbm>>) target(%dma_start3A_25 : memref<64x128xf32, #tpu.memory_space<vmem>>) offsets(%dma_start3A_28 : memref<64xi32, #tpu.memory_space<vmem>>) semaphore(%arg9 : memref<!tpu.dma_semaphore, #tpu.memory_space<semaphore_mem>>)
    %dma_start3A_32 = arith.constant 3 : i32
    %dma_start3A_33 = arith.constant 192 : i32
    %dma_start3A_34 = arith.constant 0 : i32
    %dma_start3A_35 = tpu.memref_slice %arg6[%dma_start3A_33, %dma_start3A_34] : memref<640x128xf32, #tpu.memory_space<vmem>> -> memref<64x128xf32, #tpu.memory_space<vmem>>
    %dma_start3A_36 = arith.constant 0 : i32
    %dma_start3A_37 = tpu.memref_slice %arg5[%dma_start3A_32, %dma_start3A_36] : memref<100x64xi32, #tpu.memory_space<vmem>> -> memref<1x64xi32, #tpu.memory_space<vmem>>
    %dma_start3A_38 = tpu.memref_squeeze %dma_start3A_37 : memref<1x64xi32, #tpu.memory_space<vmem>> -> memref<64xi32, #tpu.memory_space<vmem>>
    %dma_start3A_39 = arith.constant 0 : i32
    %dma_start3A_40 = arith.constant 0 : i32
    %dma_start3A_41 = tpu.memref_slice %arg3[%dma_start3A_39, %dma_start3A_40] : memref<100000x128xf32, #tpu.memory_space<hbm>> -> memref<100000x128xf32, #tpu.memory_space<hbm>>
    tpu.enqueue_indirect_dma source(%dma_start3A_41 : memref<100000x128xf32, #tpu.memory_space<hbm>>) target(%dma_start3A_35 : memref<64x128xf32, #tpu.memory_space<vmem>>) offsets(%dma_start3A_38 : memref<64xi32, #tpu.memory_space<vmem>>) semaphore(%arg10 : memref<!tpu.dma_semaphore, #tpu.memory_space<semaphore_mem>>)
    %dma_start3A_42 = arith.constant 4 : i32
    %dma_start3A_43 = arith.constant 256 : i32
    %dma_start3A_44 = arith.constant 0 : i32
    %dma_start3A_45 = tpu.memref_slice %arg6[%dma_start3A_43, %dma_start3A_44] : memref<640x128xf32, #tpu.memory_space<vmem>> -> memref<64x128xf32, #tpu.memory_space<vmem>>
    %dma_start3A_46 = arith.constant 0 : i32
    %dma_start3A_47 = tpu.memref_slice %arg5[%dma_start3A_42, %dma_start3A_46] : memref<100x64xi32, #tpu.memory_space<vmem>> -> memref<1x64xi32, #tpu.memory_space<vmem>>
    %dma_start3A_48 = tpu.memref_squeeze %dma_start3A_47 : memref<1x64xi32, #tpu.memory_space<vmem>> -> memref<64xi32, #tpu.memory_space<vmem>>
    %dma_start3A_49 = arith.constant 0 : i32
    %dma_start3A_50 = arith.constant 0 : i32
    %dma_start3A_51 = tpu.memref_slice %arg3[%dma_start3A_49, %dma_start3A_50] : memref<100000x128xf32, #tpu.memory_space<hbm>> -> memref<100000x128xf32, #tpu.memory_space<hbm>>
    tpu.enqueue_indirect_dma source(%dma_start3A_51 : memref<100000x128xf32, #tpu.memory_space<hbm>>) target(%dma_start3A_45 : memref<64x128xf32, #tpu.memory_space<vmem>>) offsets(%dma_start3A_48 : memref<64xi32, #tpu.memory_space<vmem>>) semaphore(%arg11 : memref<!tpu.dma_semaphore, #tpu.memory_space<semaphore_mem>>)
    %dma_start3A_52 = arith.constant 5 : i32
    %dma_start3A_53 = arith.constant 320 : i32
    %dma_start3A_54 = arith.constant 0 : i32
    %dma_start3A_55 = tpu.memref_slice %arg6[%dma_start3A_53, %dma_start3A_54] : memref<640x128xf32, #tpu.memory_space<vmem>> -> memref<64x128xf32, #tpu.memory_space<vmem>>
    %dma_start3A_56 = arith.constant 0 : i32
    %dma_start3A_57 = tpu.memref_slice %arg5[%dma_start3A_52, %dma_start3A_56] : memref<100x64xi32, #tpu.memory_space<vmem>> -> memref<1x64xi32, #tpu.memory_space<vmem>>
    %dma_start3A_58 = tpu.memref_squeeze %dma_start3A_57 : memref<1x64xi32, #tpu.memory_space<vmem>> -> memref<64xi32, #tpu.memory_space<vmem>>
    %dma_start3A_59 = arith.constant 0 : i32
    %dma_start3A_60 = arith.constant 0 : i32
    %dma_start3A_61 = tpu.memref_slice %arg3[%dma_start3A_59, %dma_start3A_60] : memref<100000x128xf32, #tpu.memory_space<hbm>> -> memref<100000x128xf32, #tpu.memory_space<hbm>>
    tpu.enqueue_indirect_dma source(%dma_start3A_61 : memref<100000x128xf32, #tpu.memory_space<hbm>>) target(%dma_start3A_55 : memref<64x128xf32, #tpu.memory_space<vmem>>) offsets(%dma_start3A_58 : memref<64xi32, #tpu.memory_space<vmem>>) semaphore(%arg12 : memref<!tpu.dma_semaphore, #tpu.memory_space<semaphore_mem>>)
    %dma_start3A_62 = arith.constant 6 : i32
    %dma_start3A_63 = arith.constant 384 : i32
    %dma_start3A_64 = arith.constant 0 : i32
    %dma_start3A_65 = tpu.memref_slice %arg6[%dma_start3A_63, %dma_start3A_64] : memref<640x128xf32, #tpu.memory_space<vmem>> -> memref<64x128xf32, #tpu.memory_space<vmem>>
    %dma_start3A_66 = arith.constant 0 : i32
    %dma_start3A_67 = tpu.memref_slice %arg5[%dma_start3A_62, %dma_start3A_66] : memref<100x64xi32, #tpu.memory_space<vmem>> -> memref<1x64xi32, #tpu.memory_space<vmem>>
    %dma_start3A_68 = tpu.memref_squeeze %dma_start3A_67 : memref<1x64xi32, #tpu.memory_space<vmem>> -> memref<64xi32, #tpu.memory_space<vmem>>
    %dma_start3A_69 = arith.constant 0 : i32
    %dma_start3A_70 = arith.constant 0 : i32
    %dma_start3A_71 = tpu.memref_slice %arg3[%dma_start3A_69, %dma_start3A_70] : memref<100000x128xf32, #tpu.memory_space<hbm>> -> memref<100000x128xf32, #tpu.memory_space<hbm>>
    tpu.enqueue_indirect_dma source(%dma_start3A_71 : memref<100000x128xf32, #tpu.memory_space<hbm>>) target(%dma_start3A_65 : memref<64x128xf32, #tpu.memory_space<vmem>>) offsets(%dma_start3A_68 : memref<64xi32, #tpu.memory_space<vmem>>) semaphore(%arg13 : memref<!tpu.dma_semaphore, #tpu.memory_space<semaphore_mem>>)
    %dma_start3A_72 = arith.constant 7 : i32
    %dma_start3A_73 = arith.constant 448 : i32
    %dma_start3A_74 = arith.constant 0 : i32
    %dma_start3A_75 = tpu.memref_slice %arg6[%dma_start3A_73, %dma_start3A_74] : memref<640x128xf32, #tpu.memory_space<vmem>> -> memref<64x128xf32, #tpu.memory_space<vmem>>
    %dma_start3A_76 = arith.constant 0 : i32
    %dma_start3A_77 = tpu.memref_slice %arg5[%dma_start3A_72, %dma_start3A_76] : memref<100x64xi32, #tpu.memory_space<vmem>> -> memref<1x64xi32, #tpu.memory_space<vmem>>
    %dma_start3A_78 = tpu.memref_squeeze %dma_start3A_77 : memref<1x64xi32, #tpu.memory_space<vmem>> -> memref<64xi32, #tpu.memory_space<vmem>>
    %dma_start3A_79 = arith.constant 0 : i32
    %dma_start3A_80 = arith.constant 0 : i32
    %dma_start3A_81 = tpu.memref_slice %arg3[%dma_start3A_79, %dma_start3A_80] : memref<100000x128xf32, #tpu.memory_space<hbm>> -> memref<100000x128xf32, #tpu.memory_space<hbm>>
    tpu.enqueue_indirect_dma source(%dma_start3A_81 : memref<100000x128xf32, #tpu.memory_space<hbm>>) target(%dma_start3A_75 : memref<64x128xf32, #tpu.memory_space<vmem>>) offsets(%dma_start3A_78 : memref<64xi32, #tpu.memory_space<vmem>>) semaphore(%arg14 : memref<!tpu.dma_semaphore, #tpu.memory_space<semaphore_mem>>)
    %dma_start3A_82 = arith.constant 8 : i32
    %dma_start3A_83 = arith.constant 512 : i32
    %dma_start3A_84 = arith.constant 0 : i32
    %dma_start3A_85 = tpu.memref_slice %arg6[%dma_start3A_83, %dma_start3A_84] : memref<640x128xf32, #tpu.memory_space<vmem>> -> memref<64x128xf32, #tpu.memory_space<vmem>>
    %dma_start3A_86 = arith.constant 0 : i32
    %dma_start3A_87 = tpu.memref_slice %arg5[%dma_start3A_82, %dma_start3A_86] : memref<100x64xi32, #tpu.memory_space<vmem>> -> memref<1x64xi32, #tpu.memory_space<vmem>>
    %dma_start3A_88 = tpu.memref_squeeze %dma_start3A_87 : memref<1x64xi32, #tpu.memory_space<vmem>> -> memref<64xi32, #tpu.memory_space<vmem>>
    %dma_start3A_89 = arith.constant 0 : i32
    %dma_start3A_90 = arith.constant 0 : i32
    %dma_start3A_91 = tpu.memref_slice %arg3[%dma_start3A_89, %dma_start3A_90] : memref<100000x128xf32, #tpu.memory_space<hbm>> -> memref<100000x128xf32, #tpu.memory_space<hbm>>
    tpu.enqueue_indirect_dma source(%dma_start3A_91 : memref<100000x128xf32, #tpu.memory_space<hbm>>) target(%dma_start3A_85 : memref<64x128xf32, #tpu.memory_space<vmem>>) offsets(%dma_start3A_88 : memref<64xi32, #tpu.memory_space<vmem>>) semaphore(%arg15 : memref<!tpu.dma_semaphore, #tpu.memory_space<semaphore_mem>>)
    %dma_start3A_92 = arith.constant 9 : i32
    %dma_start3A_93 = arith.constant 576 : i32
    %dma_start3A_94 = arith.constant 0 : i32
    %dma_start3A_95 = tpu.memref_slice %arg6[%dma_start3A_93, %dma_start3A_94] : memref<640x128xf32, #tpu.memory_space<vmem>> -> memref<64x128xf32, #tpu.memory_space<vmem>>
    %dma_start3A_96 = arith.constant 0 : i32
    %dma_start3A_97 = tpu.memref_slice %arg5[%dma_start3A_92, %dma_start3A_96] : memref<100x64xi32, #tpu.memory_space<vmem>> -> memref<1x64xi32, #tpu.memory_space<vmem>>
    %dma_start3A_98 = tpu.memref_squeeze %dma_start3A_97 : memref<1x64xi32, #tpu.memory_space<vmem>> -> memref<64xi32, #tpu.memory_space<vmem>>
    %dma_start3A_99 = arith.constant 0 : i32
    %dma_start3A_100 = arith.constant 0 : i32
    %dma_start3A_101 = tpu.memref_slice %arg3[%dma_start3A_99, %dma_start3A_100] : memref<100000x128xf32, #tpu.memory_space<hbm>> -> memref<100000x128xf32, #tpu.memory_space<hbm>>
    tpu.enqueue_indirect_dma source(%dma_start3A_101 : memref<100000x128xf32, #tpu.memory_space<hbm>>) target(%dma_start3A_95 : memref<64x128xf32, #tpu.memory_space<vmem>>) offsets(%dma_start3A_98 : memref<64xi32, #tpu.memory_space<vmem>>) semaphore(%arg16 : memref<!tpu.dma_semaphore, #tpu.memory_space<semaphore_mem>>)
    %scan3A = arith.constant 0 : i32
    %scan3A_102 = arith.constant 10 : i32
    %scan3A_103 = arith.addi %scan3A, %scan3A_102 : i32
    %scan3A_104 = arith.constant 1 : i32
    scf.for %scan3A_129 = %scan3A to %scan3A_103 step %scan3A_104  : i32 {
      %mul3A_130 = arith.constant 10 : i32
      %mul3A_131 = arith.muli %scan3A_129, %mul3A_130 : i32
      %add3A_132 = arith.constant 0 : i32
      %add3A_133 = arith.addi %mul3A_131, %add3A_132 : i32
      %add3A_134 = arith.constant 0 : i32
      %add3A_135 = arith.addi %add3A_133, %add3A_134 : i32
      %dma_wait3A_136 = arith.constant 0 : i32
      %dma_wait3A_137 = arith.constant 0 : i32
      %dma_wait3A_138 = tpu.memref_slice %arg6[%dma_wait3A_136, %dma_wait3A_137] : memref<640x128xf32, #tpu.memory_space<vmem>> -> memref<64x128xf32, #tpu.memory_space<vmem>>
      %dma_wait3A_139 = arith.constant 0 : i32
      %dma_wait3A_140 = tpu.memref_slice %arg5[%add3A_135, %dma_wait3A_139] : memref<100x64xi32, #tpu.memory_space<vmem>> -> memref<1x64xi32, #tpu.memory_space<vmem>>
      %dma_wait3A_141 = tpu.memref_squeeze %dma_wait3A_140 : memref<1x64xi32, #tpu.memory_space<vmem>> -> memref<64xi32, #tpu.memory_space<vmem>>
      %dma_wait3A_142 = arith.constant 0 : i32
      %dma_wait3A_143 = arith.constant 0 : i32
      %dma_wait3A_144 = tpu.memref_slice %arg3[%dma_wait3A_142, %dma_wait3A_143] : memref<100000x128xf32, #tpu.memory_space<hbm>> -> memref<100000x128xf32, #tpu.memory_space<hbm>>
      tpu.wait_indirect_dma semaphore(%arg7 : memref<!tpu.dma_semaphore, #tpu.memory_space<semaphore_mem>>) src(%dma_wait3A_144 : memref<100000x128xf32, #tpu.memory_space<hbm>>) dst(%dma_wait3A_138 : memref<64x128xf32, #tpu.memory_space<vmem>>)
      %add3A_145 = arith.constant 0 : i32
      %add3A_146 = arith.addi %mul3A_131, %add3A_145 : i32
      %add3A_147 = arith.constant 1 : i32
      %add3A_148 = arith.addi %add3A_146, %add3A_147 : i32
      %dma_wait3A_149 = arith.constant 64 : i32
      %dma_wait3A_150 = arith.constant 0 : i32
      %dma_wait3A_151 = tpu.memref_slice %arg6[%dma_wait3A_149, %dma_wait3A_150] : memref<640x128xf32, #tpu.memory_space<vmem>> -> memref<64x128xf32, #tpu.memory_space<vmem>>
      %dma_wait3A_152 = arith.constant 0 : i32
      %dma_wait3A_153 = tpu.memref_slice %arg5[%add3A_148, %dma_wait3A_152] : memref<100x64xi32, #tpu.memory_space<vmem>> -> memref<1x64xi32, #tpu.memory_space<vmem>>
      %dma_wait3A_154 = tpu.memref_squeeze %dma_wait3A_153 : memref<1x64xi32, #tpu.memory_space<vmem>> -> memref<64xi32, #tpu.memory_space<vmem>>
      %dma_wait3A_155 = arith.constant 0 : i32
      %dma_wait3A_156 = arith.constant 0 : i32
      %dma_wait3A_157 = tpu.memref_slice %arg3[%dma_wait3A_155, %dma_wait3A_156] : memref<100000x128xf32, #tpu.memory_space<hbm>> -> memref<100000x128xf32, #tpu.memory_space<hbm>>
      tpu.wait_indirect_dma semaphore(%arg8 : memref<!tpu.dma_semaphore, #tpu.memory_space<semaphore_mem>>) src(%dma_wait3A_157 : memref<100000x128xf32, #tpu.memory_space<hbm>>) dst(%dma_wait3A_151 : memref<64x128xf32, #tpu.memory_space<vmem>>)
      %add3A_158 = arith.constant 0 : i32
      %add3A_159 = arith.addi %mul3A_131, %add3A_158 : i32
      %add3A_160 = arith.constant 2 : i32
      %add3A_161 = arith.addi %add3A_159, %add3A_160 : i32
      %dma_wait3A_162 = arith.constant 128 : i32
      %dma_wait3A_163 = arith.constant 0 : i32
      %dma_wait3A_164 = tpu.memref_slice %arg6[%dma_wait3A_162, %dma_wait3A_163] : memref<640x128xf32, #tpu.memory_space<vmem>> -> memref<64x128xf32, #tpu.memory_space<vmem>>
      %dma_wait3A_165 = arith.constant 0 : i32
      %dma_wait3A_166 = tpu.memref_slice %arg5[%add3A_161, %dma_wait3A_165] : memref<100x64xi32, #tpu.memory_space<vmem>> -> memref<1x64xi32, #tpu.memory_space<vmem>>
      %dma_wait3A_167 = tpu.memref_squeeze %dma_wait3A_166 : memref<1x64xi32, #tpu.memory_space<vmem>> -> memref<64xi32, #tpu.memory_space<vmem>>
      %dma_wait3A_168 = arith.constant 0 : i32
      %dma_wait3A_169 = arith.constant 0 : i32
      %dma_wait3A_170 = tpu.memref_slice %arg3[%dma_wait3A_168, %dma_wait3A_169] : memref<100000x128xf32, #tpu.memory_space<hbm>> -> memref<100000x128xf32, #tpu.memory_space<hbm>>
      tpu.wait_indirect_dma semaphore(%arg9 : memref<!tpu.dma_semaphore, #tpu.memory_space<semaphore_mem>>) src(%dma_wait3A_170 : memref<100000x128xf32, #tpu.memory_space<hbm>>) dst(%dma_wait3A_164 : memref<64x128xf32, #tpu.memory_space<vmem>>)
      %add3A_171 = arith.constant 0 : i32
      %add3A_172 = arith.addi %mul3A_131, %add3A_171 : i32
      %add3A_173 = arith.constant 3 : i32
      %add3A_174 = arith.addi %add3A_172, %add3A_173 : i32
      %dma_wait3A_175 = arith.constant 192 : i32
      %dma_wait3A_176 = arith.constant 0 : i32
      %dma_wait3A_177 = tpu.memref_slice %arg6[%dma_wait3A_175, %dma_wait3A_176] : memref<640x128xf32, #tpu.memory_space<vmem>> -> memref<64x128xf32, #tpu.memory_space<vmem>>
      %dma_wait3A_178 = arith.constant 0 : i32
      %dma_wait3A_179 = tpu.memref_slice %arg5[%add3A_174, %dma_wait3A_178] : memref<100x64xi32, #tpu.memory_space<vmem>> -> memref<1x64xi32, #tpu.memory_space<vmem>>
      %dma_wait3A_180 = tpu.memref_squeeze %dma_wait3A_179 : memref<1x64xi32, #tpu.memory_space<vmem>> -> memref<64xi32, #tpu.memory_space<vmem>>
      %dma_wait3A_181 = arith.constant 0 : i32
      %dma_wait3A_182 = arith.constant 0 : i32
      %dma_wait3A_183 = tpu.memref_slice %arg3[%dma_wait3A_181, %dma_wait3A_182] : memref<100000x128xf32, #tpu.memory_space<hbm>> -> memref<100000x128xf32, #tpu.memory_space<hbm>>
      tpu.wait_indirect_dma semaphore(%arg10 : memref<!tpu.dma_semaphore, #tpu.memory_space<semaphore_mem>>) src(%dma_wait3A_183 : memref<100000x128xf32, #tpu.memory_space<hbm>>) dst(%dma_wait3A_177 : memref<64x128xf32, #tpu.memory_space<vmem>>)
      %add3A_184 = arith.constant 0 : i32
      %add3A_185 = arith.addi %mul3A_131, %add3A_184 : i32
      %add3A_186 = arith.constant 4 : i32
      %add3A_187 = arith.addi %add3A_185, %add3A_186 : i32
      %dma_wait3A_188 = arith.constant 256 : i32
      %dma_wait3A_189 = arith.constant 0 : i32
      %dma_wait3A_190 = tpu.memref_slice %arg6[%dma_wait3A_188, %dma_wait3A_189] : memref<640x128xf32, #tpu.memory_space<vmem>> -> memref<64x128xf32, #tpu.memory_space<vmem>>
      %dma_wait3A_191 = arith.constant 0 : i32
      %dma_wait3A_192 = tpu.memref_slice %arg5[%add3A_187, %dma_wait3A_191] : memref<100x64xi32, #tpu.memory_space<vmem>> -> memref<1x64xi32, #tpu.memory_space<vmem>>
      %dma_wait3A_193 = tpu.memref_squeeze %dma_wait3A_192 : memref<1x64xi32, #tpu.memory_space<vmem>> -> memref<64xi32, #tpu.memory_space<vmem>>
      %dma_wait3A_194 = arith.constant 0 : i32
      %dma_wait3A_195 = arith.constant 0 : i32
      %dma_wait3A_196 = tpu.memref_slice %arg3[%dma_wait3A_194, %dma_wait3A_195] : memref<100000x128xf32, #tpu.memory_space<hbm>> -> memref<100000x128xf32, #tpu.memory_space<hbm>>
      tpu.wait_indirect_dma semaphore(%arg11 : memref<!tpu.dma_semaphore, #tpu.memory_space<semaphore_mem>>) src(%dma_wait3A_196 : memref<100000x128xf32, #tpu.memory_space<hbm>>) dst(%dma_wait3A_190 : memref<64x128xf32, #tpu.memory_space<vmem>>)
      %add3A_197 = arith.constant 0 : i32
      %add3A_198 = arith.addi %mul3A_131, %add3A_197 : i32
      %mul3A_199 = arith.constant 64 : i32
      %mul3A_200 = arith.muli %add3A_198, %mul3A_199 : i32
      %add3A_201 = arith.addi %mul3A_2, %mul3A_200 : i32
      %dma_start3A_202 = arith.constant 0 : i32
      %dma_start3A_203 = arith.constant 0 : i32
      %dma_start3A_204 = tpu.memref_slice %arg6[%dma_start3A_202, %dma_start3A_203] : memref<640x128xf32, #tpu.memory_space<vmem>> -> memref<320x128xf32, #tpu.memory_space<vmem>>
      %dma_start3A_205 = arith.constant 0 : i32
      %dma_start3A_206 = tpu.memref_slice %arg4[%add3A_201, %dma_start3A_205] : memref<204800x128xf32, #tpu.memory_space<hbm>> -> memref<320x128xf32, #tpu.memory_space<hbm>>
      %dma_start3A_207 = arith.constant 0 : i32
      %dma_start3A_208 = tpu.memref_slice %arg4[%add3A_201, %dma_start3A_207] : memref<204800x128xf32, #tpu.memory_space<hbm>> -> memref<320x128xf32, #tpu.memory_space<hbm>>
      %dma_start3A_209 = arith.constant 0 : i32
      %dma_start3A_210 = arith.constant 0 : i32
      %dma_start3A_211 = tpu.memref_slice %arg6[%dma_start3A_209, %dma_start3A_210] : memref<640x128xf32, #tpu.memory_space<vmem>> -> memref<320x128xf32, #tpu.memory_space<vmem>>
      tpu.enqueue_dma source(%dma_start3A_211 : memref<320x128xf32, #tpu.memory_space<vmem>>) target(%dma_start3A_208 : memref<320x128xf32, #tpu.memory_space<hbm>>) target_semaphore(%arg17 : memref<!tpu.dma_semaphore, #tpu.memory_space<semaphore_mem>>)
      %add3A_212 = arith.constant 5 : i32
      %add3A_213 = arith.addi %mul3A_131, %add3A_212 : i32
      %add3A_214 = arith.constant 0 : i32
      %add3A_215 = arith.addi %add3A_213, %add3A_214 : i32
      %dma_wait3A_216 = arith.constant 320 : i32
      %dma_wait3A_217 = arith.constant 0 : i32
      %dma_wait3A_218 = tpu.memref_slice %arg6[%dma_wait3A_216, %dma_wait3A_217] : memref<640x128xf32, #tpu.memory_space<vmem>> -> memref<64x128xf32, #tpu.memory_space<vmem>>
      %dma_wait3A_219 = arith.constant 0 : i32
      %dma_wait3A_220 = tpu.memref_slice %arg5[%add3A_215, %dma_wait3A_219] : memref<100x64xi32, #tpu.memory_space<vmem>> -> memref<1x64xi32, #tpu.memory_space<vmem>>
      %dma_wait3A_221 = tpu.memref_squeeze %dma_wait3A_220 : memref<1x64xi32, #tpu.memory_space<vmem>> -> memref<64xi32, #tpu.memory_space<vmem>>
      %dma_wait3A_222 = arith.constant 0 : i32
      %dma_wait3A_223 = arith.constant 0 : i32
      %dma_wait3A_224 = tpu.memref_slice %arg3[%dma_wait3A_222, %dma_wait3A_223] : memref<100000x128xf32, #tpu.memory_space<hbm>> -> memref<100000x128xf32, #tpu.memory_space<hbm>>
      tpu.wait_indirect_dma semaphore(%arg12 : memref<!tpu.dma_semaphore, #tpu.memory_space<semaphore_mem>>) src(%dma_wait3A_224 : memref<100000x128xf32, #tpu.memory_space<hbm>>) dst(%dma_wait3A_218 : memref<64x128xf32, #tpu.memory_space<vmem>>)
      %add3A_225 = arith.constant 5 : i32
      %add3A_226 = arith.addi %mul3A_131, %add3A_225 : i32
      %add3A_227 = arith.constant 1 : i32
      %add3A_228 = arith.addi %add3A_226, %add3A_227 : i32
      %dma_wait3A_229 = arith.constant 384 : i32
      %dma_wait3A_230 = arith.constant 0 : i32
      %dma_wait3A_231 = tpu.memref_slice %arg6[%dma_wait3A_229, %dma_wait3A_230] : memref<640x128xf32, #tpu.memory_space<vmem>> -> memref<64x128xf32, #tpu.memory_space<vmem>>
      %dma_wait3A_232 = arith.constant 0 : i32
      %dma_wait3A_233 = tpu.memref_slice %arg5[%add3A_228, %dma_wait3A_232] : memref<100x64xi32, #tpu.memory_space<vmem>> -> memref<1x64xi32, #tpu.memory_space<vmem>>
      %dma_wait3A_234 = tpu.memref_squeeze %dma_wait3A_233 : memref<1x64xi32, #tpu.memory_space<vmem>> -> memref<64xi32, #tpu.memory_space<vmem>>
      %dma_wait3A_235 = arith.constant 0 : i32
      %dma_wait3A_236 = arith.constant 0 : i32
      %dma_wait3A_237 = tpu.memref_slice %arg3[%dma_wait3A_235, %dma_wait3A_236] : memref<100000x128xf32, #tpu.memory_space<hbm>> -> memref<100000x128xf32, #tpu.memory_space<hbm>>
      tpu.wait_indirect_dma semaphore(%arg13 : memref<!tpu.dma_semaphore, #tpu.memory_space<semaphore_mem>>) src(%dma_wait3A_237 : memref<100000x128xf32, #tpu.memory_space<hbm>>) dst(%dma_wait3A_231 : memref<64x128xf32, #tpu.memory_space<vmem>>)
      %add3A_238 = arith.constant 5 : i32
      %add3A_239 = arith.addi %mul3A_131, %add3A_238 : i32
      %add3A_240 = arith.constant 2 : i32
      %add3A_241 = arith.addi %add3A_239, %add3A_240 : i32
      %dma_wait3A_242 = arith.constant 448 : i32
      %dma_wait3A_243 = arith.constant 0 : i32
      %dma_wait3A_244 = tpu.memref_slice %arg6[%dma_wait3A_242, %dma_wait3A_243] : memref<640x128xf32, #tpu.memory_space<vmem>> -> memref<64x128xf32, #tpu.memory_space<vmem>>
      %dma_wait3A_245 = arith.constant 0 : i32
      %dma_wait3A_246 = tpu.memref_slice %arg5[%add3A_241, %dma_wait3A_245] : memref<100x64xi32, #tpu.memory_space<vmem>> -> memref<1x64xi32, #tpu.memory_space<vmem>>
      %dma_wait3A_247 = tpu.memref_squeeze %dma_wait3A_246 : memref<1x64xi32, #tpu.memory_space<vmem>> -> memref<64xi32, #tpu.memory_space<vmem>>
      %dma_wait3A_248 = arith.constant 0 : i32
      %dma_wait3A_249 = arith.constant 0 : i32
      %dma_wait3A_250 = tpu.memref_slice %arg3[%dma_wait3A_248, %dma_wait3A_249] : memref<100000x128xf32, #tpu.memory_space<hbm>> -> memref<100000x128xf32, #tpu.memory_space<hbm>>
      tpu.wait_indirect_dma semaphore(%arg14 : memref<!tpu.dma_semaphore, #tpu.memory_space<semaphore_mem>>) src(%dma_wait3A_250 : memref<100000x128xf32, #tpu.memory_space<hbm>>) dst(%dma_wait3A_244 : memref<64x128xf32, #tpu.memory_space<vmem>>)
      %add3A_251 = arith.constant 5 : i32
      %add3A_252 = arith.addi %mul3A_131, %add3A_251 : i32
      %add3A_253 = arith.constant 3 : i32
      %add3A_254 = arith.addi %add3A_252, %add3A_253 : i32
      %dma_wait3A_255 = arith.constant 512 : i32
      %dma_wait3A_256 = arith.constant 0 : i32
      %dma_wait3A_257 = tpu.memref_slice %arg6[%dma_wait3A_255, %dma_wait3A_256] : memref<640x128xf32, #tpu.memory_space<vmem>> -> memref<64x128xf32, #tpu.memory_space<vmem>>
      %dma_wait3A_258 = arith.constant 0 : i32
      %dma_wait3A_259 = tpu.memref_slice %arg5[%add3A_254, %dma_wait3A_258] : memref<100x64xi32, #tpu.memory_space<vmem>> -> memref<1x64xi32, #tpu.memory_space<vmem>>
      %dma_wait3A_260 = tpu.memref_squeeze %dma_wait3A_259 : memref<1x64xi32, #tpu.memory_space<vmem>> -> memref<64xi32, #tpu.memory_space<vmem>>
      %dma_wait3A_261 = arith.constant 0 : i32
      %dma_wait3A_262 = arith.constant 0 : i32
      %dma_wait3A_263 = tpu.memref_slice %arg3[%dma_wait3A_261, %dma_wait3A_262] : memref<100000x128xf32, #tpu.memory_space<hbm>> -> memref<100000x128xf32, #tpu.memory_space<hbm>>
      tpu.wait_indirect_dma semaphore(%arg15 : memref<!tpu.dma_semaphore, #tpu.memory_space<semaphore_mem>>) src(%dma_wait3A_263 : memref<100000x128xf32, #tpu.memory_space<hbm>>) dst(%dma_wait3A_257 : memref<64x128xf32, #tpu.memory_space<vmem>>)
      %add3A_264 = arith.constant 5 : i32
      %add3A_265 = arith.addi %mul3A_131, %add3A_264 : i32
      %add3A_266 = arith.constant 4 : i32
      %add3A_267 = arith.addi %add3A_265, %add3A_266 : i32
      %dma_wait3A_268 = arith.constant 576 : i32
      %dma_wait3A_269 = arith.constant 0 : i32
      %dma_wait3A_270 = tpu.memref_slice %arg6[%dma_wait3A_268, %dma_wait3A_269] : memref<640x128xf32, #tpu.memory_space<vmem>> -> memref<64x128xf32, #tpu.memory_space<vmem>>
      %dma_wait3A_271 = arith.constant 0 : i32
      %dma_wait3A_272 = tpu.memref_slice %arg5[%add3A_267, %dma_wait3A_271] : memref<100x64xi32, #tpu.memory_space<vmem>> -> memref<1x64xi32, #tpu.memory_space<vmem>>
      %dma_wait3A_273 = tpu.memref_squeeze %dma_wait3A_272 : memref<1x64xi32, #tpu.memory_space<vmem>> -> memref<64xi32, #tpu.memory_space<vmem>>
      %dma_wait3A_274 = arith.constant 0 : i32
      %dma_wait3A_275 = arith.constant 0 : i32
      %dma_wait3A_276 = tpu.memref_slice %arg3[%dma_wait3A_274, %dma_wait3A_275] : memref<100000x128xf32, #tpu.memory_space<hbm>> -> memref<100000x128xf32, #tpu.memory_space<hbm>>
      tpu.wait_indirect_dma semaphore(%arg16 : memref<!tpu.dma_semaphore, #tpu.memory_space<semaphore_mem>>) src(%dma_wait3A_276 : memref<100000x128xf32, #tpu.memory_space<hbm>>) dst(%dma_wait3A_270 : memref<64x128xf32, #tpu.memory_space<vmem>>)
      %add3A_277 = arith.constant 5 : i32
      %add3A_278 = arith.addi %mul3A_131, %add3A_277 : i32
      %mul3A_279 = arith.constant 64 : i32
      %mul3A_280 = arith.muli %add3A_278, %mul3A_279 : i32
      %add3A_281 = arith.addi %mul3A_2, %mul3A_280 : i32
      %dma_start3A_282 = arith.constant 320 : i32
      %dma_start3A_283 = arith.constant 0 : i32
      %dma_start3A_284 = tpu.memref_slice %arg6[%dma_start3A_282, %dma_start3A_283] : memref<640x128xf32, #tpu.memory_space<vmem>> -> memref<320x128xf32, #tpu.memory_space<vmem>>
      %dma_start3A_285 = arith.constant 0 : i32
      %dma_start3A_286 = tpu.memref_slice %arg4[%add3A_281, %dma_start3A_285] : memref<204800x128xf32, #tpu.memory_space<hbm>> -> memref<320x128xf32, #tpu.memory_space<hbm>>
      %dma_start3A_287 = arith.constant 0 : i32
      %dma_start3A_288 = tpu.memref_slice %arg4[%add3A_281, %dma_start3A_287] : memref<204800x128xf32, #tpu.memory_space<hbm>> -> memref<320x128xf32, #tpu.memory_space<hbm>>
      %dma_start3A_289 = arith.constant 320 : i32
      %dma_start3A_290 = arith.constant 0 : i32
      %dma_start3A_291 = tpu.memref_slice %arg6[%dma_start3A_289, %dma_start3A_290] : memref<640x128xf32, #tpu.memory_space<vmem>> -> memref<320x128xf32, #tpu.memory_space<vmem>>
      tpu.enqueue_dma source(%dma_start3A_291 : memref<320x128xf32, #tpu.memory_space<vmem>>) target(%dma_start3A_288 : memref<320x128xf32, #tpu.memory_space<hbm>>) target_semaphore(%arg18 : memref<!tpu.dma_semaphore, #tpu.memory_space<semaphore_mem>>)
      %add3A_292 = arith.constant 0 : i32
      %add3A_293 = arith.addi %mul3A_131, %add3A_292 : i32
      %add3A_294 = arith.constant 10 : i32
      %add3A_295 = arith.addi %add3A_293, %add3A_294 : i32
      %lt3A = arith.constant 100 : i32
      %lt3A_296 = arith.cmpi slt, %add3A_295, %lt3A : i32
      %convert_element_type3A = arith.extui %lt3A_296 : i1 to i32
      %cond3A = arith.constant 0 : i32
      %cond3A_297 = arith.cmpi ne, %convert_element_type3A, %cond3A : i32
      scf.if %cond3A_297 {
        %sub3A = arith.constant 10 : i32
        %sub3A_307 = arith.subi %add3A_295, %sub3A : i32
        %mul3A_308 = arith.constant 64 : i32
        %mul3A_309 = arith.muli %sub3A_307, %mul3A_308 : i32
        %add3A_310 = arith.addi %mul3A_2, %mul3A_309 : i32
        %dma_wait3A_311 = arith.constant 0 : i32
        %dma_wait3A_312 = arith.constant 0 : i32
        %dma_wait3A_313 = tpu.memref_slice %arg6[%dma_wait3A_311, %dma_wait3A_312] : memref<640x128xf32, #tpu.memory_space<vmem>> -> memref<320x128xf32, #tpu.memory_space<vmem>>
        %dma_wait3A_314 = arith.constant 0 : i32
        %dma_wait3A_315 = tpu.memref_slice %arg4[%add3A_310, %dma_wait3A_314] : memref<204800x128xf32, #tpu.memory_space<hbm>> -> memref<320x128xf32, #tpu.memory_space<hbm>>
        %dma_wait3A_316 = arith.constant 0 : i32
        %dma_wait3A_317 = tpu.memref_slice %arg4[%add3A_310, %dma_wait3A_316] : memref<204800x128xf32, #tpu.memory_space<hbm>> -> memref<320x128xf32, #tpu.memory_space<hbm>>
        %dma_wait3A_318 = arith.constant 0 : i32
        %dma_wait3A_319 = arith.constant 0 : i32
        %dma_wait3A_320 = tpu.memref_slice %arg6[%dma_wait3A_318, %dma_wait3A_319] : memref<640x128xf32, #tpu.memory_space<vmem>> -> memref<320x128xf32, #tpu.memory_space<vmem>>
        tpu.wait_dma2 semaphore(%arg17 : memref<!tpu.dma_semaphore, #tpu.memory_space<semaphore_mem>>) src(%dma_wait3A_320 : memref<320x128xf32, #tpu.memory_space<vmem>>) dst(%dma_wait3A_317 : memref<320x128xf32, #tpu.memory_space<hbm>>)
        %add3A_321 = arith.constant 0 : i32
        %add3A_322 = arith.addi %add3A_295, %add3A_321 : i32
        %dma_start3A_323 = arith.constant 0 : i32
        %dma_start3A_324 = arith.constant 0 : i32
        %dma_start3A_325 = tpu.memref_slice %arg6[%dma_start3A_323, %dma_start3A_324] : memref<640x128xf32, #tpu.memory_space<vmem>> -> memref<64x128xf32, #tpu.memory_space<vmem>>
        %dma_start3A_326 = arith.constant 0 : i32
        %dma_start3A_327 = tpu.memref_slice %arg5[%add3A_322, %dma_start3A_326] : memref<100x64xi32, #tpu.memory_space<vmem>> -> memref<1x64xi32, #tpu.memory_space<vmem>>
        %dma_start3A_328 = tpu.memref_squeeze %dma_start3A_327 : memref<1x64xi32, #tpu.memory_space<vmem>> -> memref<64xi32, #tpu.memory_space<vmem>>
        %dma_start3A_329 = arith.constant 0 : i32
        %dma_start3A_330 = arith.constant 0 : i32
        %dma_start3A_331 = tpu.memref_slice %arg3[%dma_start3A_329, %dma_start3A_330] : memref<100000x128xf32, #tpu.memory_space<hbm>> -> memref<100000x128xf32, #tpu.memory_space<hbm>>
        tpu.enqueue_indirect_dma source(%dma_start3A_331 : memref<100000x128xf32, #tpu.memory_space<hbm>>) target(%dma_start3A_325 : memref<64x128xf32, #tpu.memory_space<vmem>>) offsets(%dma_start3A_328 : memref<64xi32, #tpu.memory_space<vmem>>) semaphore(%arg7 : memref<!tpu.dma_semaphore, #tpu.memory_space<semaphore_mem>>)
        %add3A_332 = arith.constant 1 : i32
        %add3A_333 = arith.addi %add3A_295, %add3A_332 : i32
        %dma_start3A_334 = arith.constant 64 : i32
        %dma_start3A_335 = arith.constant 0 : i32
        %dma_start3A_336 = tpu.memref_slice %arg6[%dma_start3A_334, %dma_start3A_335] : memref<640x128xf32, #tpu.memory_space<vmem>> -> memref<64x128xf32, #tpu.memory_space<vmem>>
        %dma_start3A_337 = arith.constant 0 : i32
        %dma_start3A_338 = tpu.memref_slice %arg5[%add3A_333, %dma_start3A_337] : memref<100x64xi32, #tpu.memory_space<vmem>> -> memref<1x64xi32, #tpu.memory_space<vmem>>
        %dma_start3A_339 = tpu.memref_squeeze %dma_start3A_338 : memref<1x64xi32, #tpu.memory_space<vmem>> -> memref<64xi32, #tpu.memory_space<vmem>>
        %dma_start3A_340 = arith.constant 0 : i32
        %dma_start3A_341 = arith.constant 0 : i32
        %dma_start3A_342 = tpu.memref_slice %arg3[%dma_start3A_340, %dma_start3A_341] : memref<100000x128xf32, #tpu.memory_space<hbm>> -> memref<100000x128xf32, #tpu.memory_space<hbm>>
        tpu.enqueue_indirect_dma source(%dma_start3A_342 : memref<100000x128xf32, #tpu.memory_space<hbm>>) target(%dma_start3A_336 : memref<64x128xf32, #tpu.memory_space<vmem>>) offsets(%dma_start3A_339 : memref<64xi32, #tpu.memory_space<vmem>>) semaphore(%arg8 : memref<!tpu.dma_semaphore, #tpu.memory_space<semaphore_mem>>)
        %add3A_343 = arith.constant 2 : i32
        %add3A_344 = arith.addi %add3A_295, %add3A_343 : i32
        %dma_start3A_345 = arith.constant 128 : i32
        %dma_start3A_346 = arith.constant 0 : i32
        %dma_start3A_347 = tpu.memref_slice %arg6[%dma_start3A_345, %dma_start3A_346] : memref<640x128xf32, #tpu.memory_space<vmem>> -> memref<64x128xf32, #tpu.memory_space<vmem>>
        %dma_start3A_348 = arith.constant 0 : i32
        %dma_start3A_349 = tpu.memref_slice %arg5[%add3A_344, %dma_start3A_348] : memref<100x64xi32, #tpu.memory_space<vmem>> -> memref<1x64xi32, #tpu.memory_space<vmem>>
        %dma_start3A_350 = tpu.memref_squeeze %dma_start3A_349 : memref<1x64xi32, #tpu.memory_space<vmem>> -> memref<64xi32, #tpu.memory_space<vmem>>
        %dma_start3A_351 = arith.constant 0 : i32
        %dma_start3A_352 = arith.constant 0 : i32
        %dma_start3A_353 = tpu.memref_slice %arg3[%dma_start3A_351, %dma_start3A_352] : memref<100000x128xf32, #tpu.memory_space<hbm>> -> memref<100000x128xf32, #tpu.memory_space<hbm>>
        tpu.enqueue_indirect_dma source(%dma_start3A_353 : memref<100000x128xf32, #tpu.memory_space<hbm>>) target(%dma_start3A_347 : memref<64x128xf32, #tpu.memory_space<vmem>>) offsets(%dma_start3A_350 : memref<64xi32, #tpu.memory_space<vmem>>) semaphore(%arg9 : memref<!tpu.dma_semaphore, #tpu.memory_space<semaphore_mem>>)
        %add3A_354 = arith.constant 3 : i32
        %add3A_355 = arith.addi %add3A_295, %add3A_354 : i32
        %dma_start3A_356 = arith.constant 192 : i32
        %dma_start3A_357 = arith.constant 0 : i32
        %dma_start3A_358 = tpu.memref_slice %arg6[%dma_start3A_356, %dma_start3A_357] : memref<640x128xf32, #tpu.memory_space<vmem>> -> memref<64x128xf32, #tpu.memory_space<vmem>>
        %dma_start3A_359 = arith.constant 0 : i32
        %dma_start3A_360 = tpu.memref_slice %arg5[%add3A_355, %dma_start3A_359] : memref<100x64xi32, #tpu.memory_space<vmem>> -> memref<1x64xi32, #tpu.memory_space<vmem>>
        %dma_start3A_361 = tpu.memref_squeeze %dma_start3A_360 : memref<1x64xi32, #tpu.memory_space<vmem>> -> memref<64xi32, #tpu.memory_space<vmem>>
        %dma_start3A_362 = arith.constant 0 : i32
        %dma_start3A_363 = arith.constant 0 : i32
        %dma_start3A_364 = tpu.memref_slice %arg3[%dma_start3A_362, %dma_start3A_363] : memref<100000x128xf32, #tpu.memory_space<hbm>> -> memref<100000x128xf32, #tpu.memory_space<hbm>>
        tpu.enqueue_indirect_dma source(%dma_start3A_364 : memref<100000x128xf32, #tpu.memory_space<hbm>>) target(%dma_start3A_358 : memref<64x128xf32, #tpu.memory_space<vmem>>) offsets(%dma_start3A_361 : memref<64xi32, #tpu.memory_space<vmem>>) semaphore(%arg10 : memref<!tpu.dma_semaphore, #tpu.memory_space<semaphore_mem>>)
        %add3A_365 = arith.constant 4 : i32
        %add3A_366 = arith.addi %add3A_295, %add3A_365 : i32
        %dma_start3A_367 = arith.constant 256 : i32
        %dma_start3A_368 = arith.constant 0 : i32
        %dma_start3A_369 = tpu.memref_slice %arg6[%dma_start3A_367, %dma_start3A_368] : memref<640x128xf32, #tpu.memory_space<vmem>> -> memref<64x128xf32, #tpu.memory_space<vmem>>
        %dma_start3A_370 = arith.constant 0 : i32
        %dma_start3A_371 = tpu.memref_slice %arg5[%add3A_366, %dma_start3A_370] : memref<100x64xi32, #tpu.memory_space<vmem>> -> memref<1x64xi32, #tpu.memory_space<vmem>>
        %dma_start3A_372 = tpu.memref_squeeze %dma_start3A_371 : memref<1x64xi32, #tpu.memory_space<vmem>> -> memref<64xi32, #tpu.memory_space<vmem>>
        %dma_start3A_373 = arith.constant 0 : i32
        %dma_start3A_374 = arith.constant 0 : i32
        %dma_start3A_375 = tpu.memref_slice %arg3[%dma_start3A_373, %dma_start3A_374] : memref<100000x128xf32, #tpu.memory_space<hbm>> -> memref<100000x128xf32, #tpu.memory_space<hbm>>
        tpu.enqueue_indirect_dma source(%dma_start3A_375 : memref<100000x128xf32, #tpu.memory_space<hbm>>) target(%dma_start3A_369 : memref<64x128xf32, #tpu.memory_space<vmem>>) offsets(%dma_start3A_372 : memref<64xi32, #tpu.memory_space<vmem>>) semaphore(%arg11 : memref<!tpu.dma_semaphore, #tpu.memory_space<semaphore_mem>>)
      } else {
      }
      %add3A_298 = arith.constant 5 : i32
      %add3A_299 = arith.addi %mul3A_131, %add3A_298 : i32
      %add3A_300 = arith.constant 10 : i32
      %add3A_301 = arith.addi %add3A_299, %add3A_300 : i32
      %lt3A_302 = arith.constant 100 : i32
      %lt3A_303 = arith.cmpi slt, %add3A_301, %lt3A_302 : i32
      %convert_element_type3A_304 = arith.extui %lt3A_303 : i1 to i32
      %cond3A_305 = arith.constant 0 : i32
      %cond3A_306 = arith.cmpi ne, %convert_element_type3A_304, %cond3A_305 : i32
      scf.if %cond3A_306 {
        %sub3A = arith.constant 10 : i32
        %sub3A_307 = arith.subi %add3A_301, %sub3A : i32
        %mul3A_308 = arith.constant 64 : i32
        %mul3A_309 = arith.muli %sub3A_307, %mul3A_308 : i32
        %add3A_310 = arith.addi %mul3A_2, %mul3A_309 : i32
        %dma_wait3A_311 = arith.constant 320 : i32
        %dma_wait3A_312 = arith.constant 0 : i32
        %dma_wait3A_313 = tpu.memref_slice %arg6[%dma_wait3A_311, %dma_wait3A_312] : memref<640x128xf32, #tpu.memory_space<vmem>> -> memref<320x128xf32, #tpu.memory_space<vmem>>
        %dma_wait3A_314 = arith.constant 0 : i32
        %dma_wait3A_315 = tpu.memref_slice %arg4[%add3A_310, %dma_wait3A_314] : memref<204800x128xf32, #tpu.memory_space<hbm>> -> memref<320x128xf32, #tpu.memory_space<hbm>>
        %dma_wait3A_316 = arith.constant 0 : i32
        %dma_wait3A_317 = tpu.memref_slice %arg4[%add3A_310, %dma_wait3A_316] : memref<204800x128xf32, #tpu.memory_space<hbm>> -> memref<320x128xf32, #tpu.memory_space<hbm>>
        %dma_wait3A_318 = arith.constant 320 : i32
        %dma_wait3A_319 = arith.constant 0 : i32
        %dma_wait3A_320 = tpu.memref_slice %arg6[%dma_wait3A_318, %dma_wait3A_319] : memref<640x128xf32, #tpu.memory_space<vmem>> -> memref<320x128xf32, #tpu.memory_space<vmem>>
        tpu.wait_dma2 semaphore(%arg18 : memref<!tpu.dma_semaphore, #tpu.memory_space<semaphore_mem>>) src(%dma_wait3A_320 : memref<320x128xf32, #tpu.memory_space<vmem>>) dst(%dma_wait3A_317 : memref<320x128xf32, #tpu.memory_space<hbm>>)
        %add3A_321 = arith.constant 0 : i32
        %add3A_322 = arith.addi %add3A_301, %add3A_321 : i32
        %dma_start3A_323 = arith.constant 320 : i32
        %dma_start3A_324 = arith.constant 0 : i32
        %dma_start3A_325 = tpu.memref_slice %arg6[%dma_start3A_323, %dma_start3A_324] : memref<640x128xf32, #tpu.memory_space<vmem>> -> memref<64x128xf32, #tpu.memory_space<vmem>>
        %dma_start3A_326 = arith.constant 0 : i32
        %dma_start3A_327 = tpu.memref_slice %arg5[%add3A_322, %dma_start3A_326] : memref<100x64xi32, #tpu.memory_space<vmem>> -> memref<1x64xi32, #tpu.memory_space<vmem>>
        %dma_start3A_328 = tpu.memref_squeeze %dma_start3A_327 : memref<1x64xi32, #tpu.memory_space<vmem>> -> memref<64xi32, #tpu.memory_space<vmem>>
        %dma_start3A_329 = arith.constant 0 : i32
        %dma_start3A_330 = arith.constant 0 : i32
        %dma_start3A_331 = tpu.memref_slice %arg3[%dma_start3A_329, %dma_start3A_330] : memref<100000x128xf32, #tpu.memory_space<hbm>> -> memref<100000x128xf32, #tpu.memory_space<hbm>>
        tpu.enqueue_indirect_dma source(%dma_start3A_331 : memref<100000x128xf32, #tpu.memory_space<hbm>>) target(%dma_start3A_325 : memref<64x128xf32, #tpu.memory_space<vmem>>) offsets(%dma_start3A_328 : memref<64xi32, #tpu.memory_space<vmem>>) semaphore(%arg12 : memref<!tpu.dma_semaphore, #tpu.memory_space<semaphore_mem>>)
        %add3A_332 = arith.constant 1 : i32
        %add3A_333 = arith.addi %add3A_301, %add3A_332 : i32
        %dma_start3A_334 = arith.constant 384 : i32
        %dma_start3A_335 = arith.constant 0 : i32
        %dma_start3A_336 = tpu.memref_slice %arg6[%dma_start3A_334, %dma_start3A_335] : memref<640x128xf32, #tpu.memory_space<vmem>> -> memref<64x128xf32, #tpu.memory_space<vmem>>
        %dma_start3A_337 = arith.constant 0 : i32
        %dma_start3A_338 = tpu.memref_slice %arg5[%add3A_333, %dma_start3A_337] : memref<100x64xi32, #tpu.memory_space<vmem>> -> memref<1x64xi32, #tpu.memory_space<vmem>>
        %dma_start3A_339 = tpu.memref_squeeze %dma_start3A_338 : memref<1x64xi32, #tpu.memory_space<vmem>> -> memref<64xi32, #tpu.memory_space<vmem>>
        %dma_start3A_340 = arith.constant 0 : i32
        %dma_start3A_341 = arith.constant 0 : i32
        %dma_start3A_342 = tpu.memref_slice %arg3[%dma_start3A_340, %dma_start3A_341] : memref<100000x128xf32, #tpu.memory_space<hbm>> -> memref<100000x128xf32, #tpu.memory_space<hbm>>
        tpu.enqueue_indirect_dma source(%dma_start3A_342 : memref<100000x128xf32, #tpu.memory_space<hbm>>) target(%dma_start3A_336 : memref<64x128xf32, #tpu.memory_space<vmem>>) offsets(%dma_start3A_339 : memref<64xi32, #tpu.memory_space<vmem>>) semaphore(%arg13 : memref<!tpu.dma_semaphore, #tpu.memory_space<semaphore_mem>>)
        %add3A_343 = arith.constant 2 : i32
        %add3A_344 = arith.addi %add3A_301, %add3A_343 : i32
        %dma_start3A_345 = arith.constant 448 : i32
        %dma_start3A_346 = arith.constant 0 : i32
        %dma_start3A_347 = tpu.memref_slice %arg6[%dma_start3A_345, %dma_start3A_346] : memref<640x128xf32, #tpu.memory_space<vmem>> -> memref<64x128xf32, #tpu.memory_space<vmem>>
        %dma_start3A_348 = arith.constant 0 : i32
        %dma_start3A_349 = tpu.memref_slice %arg5[%add3A_344, %dma_start3A_348] : memref<100x64xi32, #tpu.memory_space<vmem>> -> memref<1x64xi32, #tpu.memory_space<vmem>>
        %dma_start3A_350 = tpu.memref_squeeze %dma_start3A_349 : memref<1x64xi32, #tpu.memory_space<vmem>> -> memref<64xi32, #tpu.memory_space<vmem>>
        %dma_start3A_351 = arith.constant 0 : i32
        %dma_start3A_352 = arith.constant 0 : i32
        %dma_start3A_353 = tpu.memref_slice %arg3[%dma_start3A_351, %dma_start3A_352] : memref<100000x128xf32, #tpu.memory_space<hbm>> -> memref<100000x128xf32, #tpu.memory_space<hbm>>
        tpu.enqueue_indirect_dma source(%dma_start3A_353 : memref<100000x128xf32, #tpu.memory_space<hbm>>) target(%dma_start3A_347 : memref<64x128xf32, #tpu.memory_space<vmem>>) offsets(%dma_start3A_350 : memref<64xi32, #tpu.memory_space<vmem>>) semaphore(%arg14 : memref<!tpu.dma_semaphore, #tpu.memory_space<semaphore_mem>>)
        %add3A_354 = arith.constant 3 : i32
        %add3A_355 = arith.addi %add3A_301, %add3A_354 : i32
        %dma_start3A_356 = arith.constant 512 : i32
        %dma_start3A_357 = arith.constant 0 : i32
        %dma_start3A_358 = tpu.memref_slice %arg6[%dma_start3A_356, %dma_start3A_357] : memref<640x128xf32, #tpu.memory_space<vmem>> -> memref<64x128xf32, #tpu.memory_space<vmem>>
        %dma_start3A_359 = arith.constant 0 : i32
        %dma_start3A_360 = tpu.memref_slice %arg5[%add3A_355, %dma_start3A_359] : memref<100x64xi32, #tpu.memory_space<vmem>> -> memref<1x64xi32, #tpu.memory_space<vmem>>
        %dma_start3A_361 = tpu.memref_squeeze %dma_start3A_360 : memref<1x64xi32, #tpu.memory_space<vmem>> -> memref<64xi32, #tpu.memory_space<vmem>>
        %dma_start3A_362 = arith.constant 0 : i32
        %dma_start3A_363 = arith.constant 0 : i32
        %dma_start3A_364 = tpu.memref_slice %arg3[%dma_start3A_362, %dma_start3A_363] : memref<100000x128xf32, #tpu.memory_space<hbm>> -> memref<100000x128xf32, #tpu.memory_space<hbm>>
        tpu.enqueue_indirect_dma source(%dma_start3A_364 : memref<100000x128xf32, #tpu.memory_space<hbm>>) target(%dma_start3A_358 : memref<64x128xf32, #tpu.memory_space<vmem>>) offsets(%dma_start3A_361 : memref<64xi32, #tpu.memory_space<vmem>>) semaphore(%arg15 : memref<!tpu.dma_semaphore, #tpu.memory_space<semaphore_mem>>)
        %add3A_365 = arith.constant 4 : i32
        %add3A_366 = arith.addi %add3A_301, %add3A_365 : i32
        %dma_start3A_367 = arith.constant 576 : i32
        %dma_start3A_368 = arith.constant 0 : i32
        %dma_start3A_369 = tpu.memref_slice %arg6[%dma_start3A_367, %dma_start3A_368] : memref<640x128xf32, #tpu.memory_space<vmem>> -> memref<64x128xf32, #tpu.memory_space<vmem>>
        %dma_start3A_370 = arith.constant 0 : i32
        %dma_start3A_371 = tpu.memref_slice %arg5[%add3A_366, %dma_start3A_370] : memref<100x64xi32, #tpu.memory_space<vmem>> -> memref<1x64xi32, #tpu.memory_space<vmem>>
        %dma_start3A_372 = tpu.memref_squeeze %dma_start3A_371 : memref<1x64xi32, #tpu.memory_space<vmem>> -> memref<64xi32, #tpu.memory_space<vmem>>
        %dma_start3A_373 = arith.constant 0 : i32
        %dma_start3A_374 = arith.constant 0 : i32
        %dma_start3A_375 = tpu.memref_slice %arg3[%dma_start3A_373, %dma_start3A_374] : memref<100000x128xf32, #tpu.memory_space<hbm>> -> memref<100000x128xf32, #tpu.memory_space<hbm>>
        tpu.enqueue_indirect_dma source(%dma_start3A_375 : memref<100000x128xf32, #tpu.memory_space<hbm>>) target(%dma_start3A_369 : memref<64x128xf32, #tpu.memory_space<vmem>>) offsets(%dma_start3A_372 : memref<64xi32, #tpu.memory_space<vmem>>) semaphore(%arg16 : memref<!tpu.dma_semaphore, #tpu.memory_space<semaphore_mem>>)
      } else {
      }
    }
    %scan3A_105 = arith.constant 10 : i32
    %add3A_106 = arith.constant 5760 : i32
    %add3A_107 = arith.addi %mul3A_2, %add3A_106 : i32
    %dma_wait3A = arith.constant 0 : i32
    %dma_wait3A_108 = arith.constant 0 : i32
    %dma_wait3A_109 = tpu.memref_slice %arg6[%dma_wait3A, %dma_wait3A_108] : memref<640x128xf32, #tpu.memory_space<vmem>> -> memref<320x128xf32, #tpu.memory_space<vmem>>
    %dma_wait3A_110 = arith.constant 0 : i32
    %dma_wait3A_111 = tpu.memref_slice %arg4[%add3A_107, %dma_wait3A_110] : memref<204800x128xf32, #tpu.memory_space<hbm>> -> memref<320x128xf32, #tpu.memory_space<hbm>>
    %dma_wait3A_112 = arith.constant 0 : i32
    %dma_wait3A_113 = tpu.memref_slice %arg4[%add3A_107, %dma_wait3A_112] : memref<204800x128xf32, #tpu.memory_space<hbm>> -> memref<320x128xf32, #tpu.memory_space<hbm>>
    %dma_wait3A_114 = arith.constant 0 : i32
    %dma_wait3A_115 = arith.constant 0 : i32
    %dma_wait3A_116 = tpu.memref_slice %arg6[%dma_wait3A_114, %dma_wait3A_115] : memref<640x128xf32, #tpu.memory_space<vmem>> -> memref<320x128xf32, #tpu.memory_space<vmem>>
    tpu.wait_dma2 semaphore(%arg17 : memref<!tpu.dma_semaphore, #tpu.memory_space<semaphore_mem>>) src(%dma_wait3A_116 : memref<320x128xf32, #tpu.memory_space<vmem>>) dst(%dma_wait3A_113 : memref<320x128xf32, #tpu.memory_space<hbm>>)
    %add3A_117 = arith.constant 6080 : i32
    %add3A_118 = arith.addi %mul3A_2, %add3A_117 : i32
    %dma_wait3A_119 = arith.constant 320 : i32
    %dma_wait3A_120 = arith.constant 0 : i32
    %dma_wait3A_121 = tpu.memref_slice %arg6[%dma_wait3A_119, %dma_wait3A_120] : memref<640x128xf32, #tpu.memory_space<vmem>> -> memref<320x128xf32, #tpu.memory_space<vmem>>
    %dma_wait3A_122 = arith.constant 0 : i32
    %dma_wait3A_123 = tpu.memref_slice %arg4[%add3A_118, %dma_wait3A_122] : memref<204800x128xf32, #tpu.memory_space<hbm>> -> memref<320x128xf32, #tpu.memory_space<hbm>>
    %dma_wait3A_124 = arith.constant 0 : i32
    %dma_wait3A_125 = tpu.memref_slice %arg4[%add3A_118, %dma_wait3A_124] : memref<204800x128xf32, #tpu.memory_space<hbm>> -> memref<320x128xf32, #tpu.memory_space<hbm>>
    %dma_wait3A_126 = arith.constant 320 : i32
    %dma_wait3A_127 = arith.constant 0 : i32
    %dma_wait3A_128 = tpu.memref_slice %arg6[%dma_wait3A_126, %dma_wait3A_127] : memref<640x128xf32, #tpu.memory_space<vmem>> -> memref<320x128xf32, #tpu.memory_space<vmem>>
    tpu.wait_dma2 semaphore(%arg18 : memref<!tpu.dma_semaphore, #tpu.memory_space<semaphore_mem>>) src(%dma_wait3A_128 : memref<320x128xf32, #tpu.memory_space<vmem>>) dst(%dma_wait3A_125 : memref<320x128xf32, #tpu.memory_space<hbm>>)
    return
  }
}

</mosaic_0001>

<sc_bundles>
// kernel: kernel.3.cloned.1.call-start
scs
__scs_entry_jumppad:
0x0: {  	(pc) =	sbr.rel $0x88, $3  }
0x1: {  	(tag) =	ssettag $0x0;
	lr =	simm.s32 $0x1  }
0x2: {  	[smem:$0x3F9F] =	sst lr;
	_ =	strace $0xD0000000  }
0x3: {  	_ = 	snop  }
0x4: {  	_ = 	snop  }
0x5: {  	_ = 	snop  }
0x6: {  	_ = 	snop  }
0x7: {  	_ = 	snop  }
__scs_overlays_trampoline_lowered:
0x8: {  	[smem:$0x3FAE] =	sst s0  }
0x9: {  	[smem:$0x3FAF] =	sst s1  }
0xa: {  	[smem:$0x3FB0] =	sst s2  }
0xb: {  	[smem:$0x3FB1] =	sst s3  }
0xc: {  	[smem:$0x3FB2] =	sst s4  }
0xd: {  	[smem:$0x3FB3] =	sst s5  }
0xe: {  	[smem:$0x3FB4] =	sst s6  }
0xf: {  	[smem:$0x3FB5] =	sst s7  }
0x10: {  	[smem:$0x3FB6] =	sst s8  }
0x11: {  	[smem:$0x3FB7] =	sst s9;
	s0 =	simm.s32 @!p0 $0x0  }
0x12: {  	s1 =	sld [smem:$0x3F9D];
	s0 =	simm.s32 @p0 $0x1  }
0x13: {  	[smem:$0x3FB8] =	sst s0;
	s0 =	simm.s32 @!p1 $0x0  }
0x14: {  	s2 =	sld [smem:$0x3F9C];
	s0 =	simm.s32 @p1 $0x1  }
0x15: {  	[smem:$0x3FB9] =	sst s0;
	s0 =	simm.s32 @!p2 $0x0  }
0x16: {  	s3 =	sld [smem:$0x3FDB];
	s0 =	simm.s32 @p2 $0x1  }
0x17: {  	s4 =	simm.s32 $0x1BF5;
	[smem:$0x3FBB] =	sst s0  }
0x18: {  	s0 =	sld [smem:$0x3F9E];
	_ =	swait.ge [sflag:s4], $0x0  }
0x19: {  	s7 =	sld [smem:$0x3F9F]  }
0x1a: {  	s8 =	sadd.s32 $0xFFFFE003, lr  }
0x1b: {  	s9 =	sadd.s32 $0xFFFFFEF7, lr;
	s5 =	simm.s32 $0xFFFFFFFF;
	p2 =	slt.u32 s8, $0xFFFFF086  }
0x1c: {  	p1 =	slt.u32 s9, $0xF7A;
	s5 =	simm.s32 @!p2 $0x0  }
0x1d: {  	s5 =	simm.s32 @p1 $0x1;
	p0 =	seq.s32 s7, s2  }
0x1e: {  	s7 =	smul.u32 @!p0 $0xF7A, s2;
	p2 =	seq.s32 @!p0 s5, $0x0  }
0x1f: {  	s9 =	smul.u32 $0xF7A, s1;
	s8 =	simm.s32 @!p0 $0x1BF5;
	p2 =	por !p2, p0  }
0x20: {  	[sflag:s8] =	ssyncset.s32 @!p0 $0xFFFFF086;
	s6 =	sadd.s32 @!p0 s3, s7;
	s7 =	simm.s32 @!p0 $0x108  }
0x21: {  	s3 =	sadd.s32 s3, s9;
	s6 =	sadd.s32 @!p0 $0x88, s6;
	s7 =	simm.s32 @p2 $0x1082  }
0x22: {  	[simem:s7], [sflag:s8] =	dma.local @!p0 [hbm:s6], $0xF7A  }
0x23: {  	s9 =	sor.u32 $0xD0000000, s2;
	s6 =	simm.s32 $0x108;
	_ =	swait.ge @!p0 [sflag:s8], $0x0  }
0x24: {  	s3 =	sadd.s32 $0x88, s3;
	s6 =	simm.s32 @!p1 $0x1082;
	[sflag:s4] =	ssyncset.s32 $0xFFFFF086  }
0x25: {  	[simem:s6], [sflag:s4] =	dma.local [hbm:s3], $0xF7A  }
0x26: {  	[smem:$0x3F9F] =	sst s1;
	(tag) =	ssettag s2;
	_ =	strace s9  }
0x27: {  	s1 =	sld [smem:$0x3FAF]  }
0x28: {  	s2 =	sld [smem:$0x3FB0]  }
0x29: {  	s4 =	sld [smem:$0x3FB2]  }
0x2a: {  	p0 =	seq.s32 s5, $0x0;
	s5 =	sld [smem:$0x3FB3]  }
0x2b: {  	s6 =	sld [smem:$0x3FB4]  }
0x2c: {  	s7 =	sld [smem:$0x3FB5]  }
0x2d: {  	s3 =	simm.s32 $0x108;
	s8 =	sld [smem:$0x3FB6]  }
0x2e: {  	s3 =	simm.s32 @!p0 $0x1082;
	s9 =	sld [smem:$0x3FB7]  }
0x2f: {  	lr =	sadd.s32 s0, s3;
	s0 =	sld [smem:$0x3FAE]  }
0x30: {  	s3 =	sld [smem:$0x3FB1]  }
0x31: {  	[smem:$0x3FBA] =	sst s10  }
0x32: {  	s10 =	sld [smem:$0x3FB8];
	_ =	sdelay $0x3  }
0x33: {  	p0 =	seq.s32 s10, $0x1;
	s10 =	sld [smem:$0x3FBA];
	_ =	sdelay $0x3  }
0x34: {  	[smem:$0x3FBA] =	sst s10  }
0x35: {  	s10 =	sld [smem:$0x3FB9];
	_ =	sdelay $0x3  }
0x36: {  	p1 =	seq.s32 s10, $0x1;
	s10 =	sld [smem:$0x3FBA];
	_ =	sdelay $0x3  }
0x37: {  	[smem:$0x3FBA] =	sst s10  }
0x38: {  	s10 =	sld [smem:$0x3FBB]  }
0x39: {  	_ = 	snop;
	(pc) =	sbr.ind lr, $3  }
0x3a: {  	_ = 	snop  }
0x3b: {  	_ = 	snop  }
0x3c: {  	p2 =	seq.s32 s10, $0x1;
	s10 =	sld [smem:$0x3FBA]  }
0x3d: {  	_ =	shalt  }
0x3e: {  	_ =	shalt  }
0x3f: {  	_ =	shalt  }
0x40: {  	_ =	shalt  }
0x41: {  	_ =	shalt  }
0x42: {  	_ =	shalt  }
0x43: {  	_ =	shalt  }
0x44: {  	_ =	shalt  }
0x45: {  	_ =	shalt  }
0x46: {  	_ =	shalt  }
0x47: {  	_ =	shalt  }
0x48: {  	_ =	shalt  }
0x49: {  	_ =	shalt  }
0x4a: {  	_ =	shalt  }
0x4b: {  	_ =	shalt  }
0x4c: {  	_ =	shalt  }
0x4d: {  	_ =	shalt  }
0x4e: {  	_ =	shalt  }
0x4f: {  	_ =	shalt  }
0x50: {  	_ =	shalt  }
0x51: {  	_ =	shalt  }
0x52: {  	_ =	shalt  }
0x53: {  	_ =	shalt  }
0x54: {  	_ =	shalt  }
0x55: {  	_ =	shalt  }
0x56: {  	_ =	shalt  }
0x57: {  	_ =	shalt  }
0x58: {  	_ =	shalt  }
0x59: {  	_ =	shalt  }
0x5a: {  	_ =	shalt  }
0x5b: {  	_ =	shalt  }
0x5c: {  	_ =	shalt  }
0x5d: {  	_ =	shalt  }
0x5e: {  	_ =	shalt  }
0x5f: {  	_ =	shalt  }
0x60: {  	_ =	shalt  }
0x61: {  	_ =	shalt  }
0x62: {  	_ =	shalt  }
0x63: {  	_ =	shalt  }
0x64: {  	_ =	shalt  }
0x65: {  	_ =	shalt  }
0x66: {  	_ =	shalt  }
0x67: {  	_ =	shalt  }
0x68: {  	_ =	shalt  }
0x69: {  	_ =	shalt  }
0x6a: {  	_ =	shalt  }
0x6b: {  	_ =	shalt  }
0x6c: {  	_ =	shalt  }
0x6d: {  	_ =	shalt  }
0x6e: {  	_ =	shalt  }
0x6f: {  	_ =	shalt  }
0x70: {  	_ =	shalt  }
0x71: {  	_ =	shalt  }
0x72: {  	_ =	shalt  }
0x73: {  	_ =	shalt  }
0x74: {  	_ =	shalt  }
0x75: {  	_ =	shalt  }
0x76: {  	_ =	shalt  }
0x77: {  	_ =	shalt  }
0x78: {  	_ =	shalt  }
0x79: {  	_ =	shalt  }
0x7a: {  	_ =	shalt  }
0x7b: {  	_ =	shalt  }
0x7c: {  	_ =	shalt  }
0x7d: {  	_ =	shalt  }
0x7e: {  	_ =	shalt  }
0x7f: {  	_ =	shalt  }
0x80: {  	_ =	shalt  }
0x81: {  	_ =	shalt  }
0x82: {  	_ =	shalt  }
0x83: {  	_ =	shalt  }
0x84: {  	_ =	shalt  }
0x85: {  	_ =	shalt  }
0x86: {  	_ =	shalt  }
0x87: {  	_ =	shalt  }
.Lfunc_end0:
.L_simem_size_0:
called_computation_lowered:
.L_overlay_start_0:
0x88: {  	s2 =	sld [smem:$0x3FD9]  }
0x89: {  	s3 =	sld [smem:$0x3FFE];
	_ =	sdelay $0x1  }
0x8a: {  	s1 =	srdreg.scid  }
0x8b: {  	s0 =	sand.u32 $0x1, s1  }
0x8c: {  	s17 =	sshll.u32 s0, $0xA;
	s2 =	sadd.s32 s3, s2  }
0x8d: {  	s2 =	sadd.s32 s2, s17  }
0x8e: {  	[smem:$0x3FC6] =	sst s2  }
0x8f: {  	_ = 	snop  }
0x90: {  	s2 =	sld [smem:$0x3FC8]  }
0x91: {  	s18 =	sld [smem:$0x3FD0];
	(tm) =	ssettm $0x1  }
0x92: {  	s4 =	sld [smem:$0x3FFB];
	_ =	sdelay $0x3  }
0x93: {  	_ =	strace s4  }
0x94: {  	s4 =	sld [smem:$0x3FFC];
	_ =	sdelay $0x3  }
0x95: {  	_ =	strace s4  }
0x96: {  	s4 =	sld [smem:$0x3FFD];
	_ =	sdelay $0x3  }
0x97: {  	_ =	strace s4  }
0x98: {  	_ =	strace $0x8FFFFFFF  }
0x99: {  	s19 =	sld [smem:$0x3FDB];
	_ =	sdelay $0x1  }
0x9a: {  	s5 =	simm.s32 $_scs_section_size  }
0x9b: {  	s6 =	simm.s32 $_size__tile_overlayer_lowered;
	s7 =	simm.s32 $_tile_overlayer_lowered  }
0x9c: {  	s22 =	simm.s32 $0x1BFF;
	s21 =	sshll.u32 s7, $0x1;
	s4 =	sadd.s32 s5, s19  }
0x9d: {  	s8 =	simm.s32 $0x0;
	s20 =	sshll.u32 s6, $0x1;
	s6 =	sadd.s32 s21, s4  }
0x9e: {  	[timem:s8], [sflag:s22] =	dma.local [hbm:s6], s20  }
0x9f: {  	_ =	swait.ge [sflag:s22], s20  }
0xa0: {  	s5 =	ssub.s32 $0x0, s20;
	[sflag:s22] =	ssyncset.done $0x0  }
0xa1: {  	[sflag:s22] =	ssyncadd.s32 s5;
	_ =	sdelay $0x1  }
0xa2: {  	s23 =	simm.s32 $0x1B8B  }
0xa3: {  	_ =	swait.ge [sflag:s23], $0x1  }
0xa4: {  	[sflag:s23] =	ssyncset.done $0x0  }
0xa5: {  	s25 =	simm.s32 $0x1B8E;
	s24 =	sld [smem:$0x3FFE];
	[sflag:s23] =	ssyncadd.s32 $0xFFFFFFFF  }
0xa6: {  	s26 =	simm.s32 $execute0_lowered;
	[smem:$0x3FD2] =	sst s25  }
0xa7: {  	s6 =	sshll.u32 s26, $0x1;
	_ =	strace $0x80000046;
	[dreg:$0x1] =	wrdreg $0xFFFFFFFF  }
0xa8: {  	s28 =	simm.s32 $_size_execute0_lowered;
	s4 =	sadd.s32 s4, s6;
	[dreg:$0x0] =	wrdreg $0x0  }
0xa9: {  	s6 =	sshll.u32 s28, $0x1;
	[dreg:$0x2] =	wrdreg s4  }
0xaa: {  	[dreg:$0x3] =	wrdreg s6  }
0xab: {  	[dreg:$0x4] =	wrdreg $0xC0  }
0xac: {  	_ =	task [dreg:s8], $0x5FFFF  }
0xad: {  	[dreg:$0x1] =	wrdreg $0xFFFFFFFF  }
0xae: {  	[dreg:$0x0] =	wrdreg $0x60  }
0xaf: {  	[dreg:$0x2] =	wrdreg s24  }
0xb0: {  	[dreg:$0x3] =	wrdreg s2  }
0xb1: {  	[dreg:$0x4] =	wrdreg s18  }
0xb2: {  	[dreg:$0x5] =	wrdreg $0x9  }
0xb3: {  	_ =	task.clear_ibuf [dreg:s8], $0x6FFFF;
	_ =	strace $0x90000046  }
0xb4: {  	s29 =	simm.s32 $0x9;
	_ =	strace $0x80000048  }
0xb5: {  	_ =	swait.ge [sflag:s29], $0x1  }
0xb6: {  	[sflag:s29] =	ssyncadd.s32 $0xFFFFFFFF  }
0xb7: {  	_ =	strace $0x90000048  }
0xb8: {  	_ =	sfence  }
0xb9: {  	s30 =	sld [smem:$0x0];
	_ =	sdelay $0x2  }
0xba: {  	s31 =	sshll.u32 s1, $0xD;
	s1 =	sshrl.u32 s1, $0x2  }
0xbb: {  	s3 =	sand.u32 $0x4000, s31;
	s1 =	sadd.s32 s1, s30  }
0xbc: {  	s0 =	sor.u32 s3, s0;
	s1 =	sshll.u32 s1, $0x11  }
0xbd: {  	s0 =	sor.u32 s1, s0  }
0xbe: {  	s0 =	sadd.s32 $0x8F2B, s0  }
0xbf: {  	[sflag:s0] =	ssyncadd.remote.s32 $0x1  }
0xc0: {  	_ =	sfence.sel $0xFFFF  }
0xc1: {  	[dreg:$0x0] =	wrdreg $0xFFFFFFFF;
	(pc) =	sbr.abs _section_cstart, $3  }
0xc2: {  	[dreg:$0x1] =	wrdreg $0xFFFFFFFF  }
0xc3: {  	_ =	task.clear_ibuf [dreg:s8], $0x2FFFF;
	_ =	strace $0x9FFFFFFF  }
0xc4: {  	(tm) =	ssettm $0x7FFFFFFF  }
0xc5: {  	_ =	shalt  }
tec
execute0_lowered:
.L_overlay_start_1:
0x0: {  	(tag) =	ssettag $0x1  }
0x1: {  	s0 =	rddreg [dreg:$0x0];
	s1 =	srdreg.scid  }
0x2: {  	s9 =	stileid.u32;
	s2 =	rddreg [dreg:$0x1]  }
0x3: {  	s4 =	rddreg [dreg:$0x2];
	s10 =	simm.s32 $0x40;
	s11 =	simm.s32 $0x3400  }
0x4: {  	s13 =	simm.s32 $0x5400;
	s15 =	simm.s32 $0x7400;
	s17 =	simm.s32 $0x9400  }
0x5: {  	s19 =	simm.s32 $0xB400;
	s21 =	simm.s32 $0xD400;
	s28 =	simm.s32 $0x13400  }
0x6: {  	s30 =	simm.s32 $0x15400;
	s31 =	simm.s32 $0x1;
	s12 =	simm.s32 $0x4  }
0x7: {  	s14 =	simm.s32 $0x5;
	s16 =	simm.s32 $0x6;
	s18 =	simm.s32 $0x7  }
0x8: {  	s20 =	simm.s32 $0x8;
	s1 =	sand.u32 $0x1, s1;
	s3 =	sshll.u32 s9, $0x1  }
0x9: {  	s22 =	simm.s32 $0x9;
	s9 =	smul.u32 $0x32000, s9;
	s5 =	sor.u32 s1, s3  }
0xa: {  	s29 =	simm.s32 $0xC;
	s3 =	simm.s32 $0x0;
	s6 =	smul.u32 $0x680, s5  }
0xb: {  	s7 =	ssub.s32 $0x2, s1;
	[smem:$0x7FF] =	sst s3;
	s5 =	smul.u32 $0x19000, s5  }
0xc: {  	s1 =	smul.u32 $0x19000, s1;
	s8 =	sshrl.u32 s7, $0x1;
	_ =	strace $0x80000047  }
0xd: {  	s23 =	ssub.s32 s7, s8;
	s0 =	sadd.s32 s6, s0;
	s24 =	sadd.s32 s4, s5  }
0xe: {  	s4 =	sadd.s32 s9, s4;
	s25 =	smax.u32 s23, $0x1;
	s23 =	simm.s32 $0xF400  }
0xf: {  	s0 =	sadd.s32 $0x400, s0;
	[dreg:$0x5] =	wrdreg s25;
	s26 =	sadd.s32 $0x16800, s24  }
0x10: {  	s1 =	sadd.s32 s1, s4;
	s25 =	simm.s32 $0x11400;
	[dreg:$0x4] =	wrdreg s0  }
0x11: {  	s4 =	simm.s32 $0x0;
	[dreg:$0x6] =	wrdreg s26;
	s0 =	sadd.s32 $0x17C00, s24  }
0x12: {  	s8 =	sadd.s32 $0x1400, s1;
	s1 =	simm.s32 $0x2;
	s24 =	simm.s32 $0xA  }
0x13: {  	s26 =	simm.s32 $0xB;
	[dreg:$0x7] =	wrdreg s0;
	s0 =	simm.s32 $0x3  }
.LBB2_1:
0x14: {  	s5 =	rddreg [dreg:$0x4];
	s7 =	simm.s32 $0xD  }
0x15: {  	[tilespmem:s3], [sflag:$0xD] =	stream.linear.gather [hbm4b:s5+s3], $0x3200, $0x38;
	[tilespmem:$0x17400] =	vst v63  }
0x16: {  	_ =	swait.ge [sflag:s7], $0x3200  }
0x17: {  	[sflag:s7] =	ssyncset.done $0x0  }
0x18: {  	[sflag:s7] =	ssyncadd.s32 $0xFFFFCE00  }
0x19: {  	[tilespmem:s11], [sflag:$0x1] =	stream.indirect.gather [hbm4b:s2+s10], $0x80, s3, s10, $0xb8;
	[tilespmem:$0x17400] =	vst v63  }
0x1a: {  	s9 =	simm.s32 $0x80  }
0x1b: {  	[tilespmem:s13], [sflag:$0x2] =	stream.indirect.gather [hbm4b:s2+s10], $0x80, s9, s10, $0xb8;
	[tilespmem:$0x17400] =	vst v63  }
0x1c: {  	s6 =	simm.s32 $0x100  }
0x1d: {  	[tilespmem:s15], [sflag:$0x3] =	stream.indirect.gather [hbm4b:s2+s10], $0x80, s6, s10, $0xb8;
	[tilespmem:$0x17400] =	vst v63  }
0x1e: {  	s7 =	simm.s32 $0x180  }
0x1f: {  	[tilespmem:s17], [sflag:$0x4] =	stream.indirect.gather [hbm4b:s2+s10], $0x80, s7, s10, $0xb8;
	[tilespmem:$0x17400] =	vst v63  }
0x20: {  	s9 =	simm.s32 $0x200  }
0x21: {  	[tilespmem:s19], [sflag:$0x5] =	stream.indirect.gather [hbm4b:s2+s10], $0x80, s9, s10, $0xb8;
	[tilespmem:$0x17400] =	vst v63  }
0x22: {  	s6 =	simm.s32 $0x280  }
0x23: {  	[tilespmem:s21], [sflag:$0x6] =	stream.indirect.gather [hbm4b:s2+s10], $0x80, s6, s10, $0xb8;
	[tilespmem:$0x17400] =	vst v63  }
0x24: {  	s7 =	simm.s32 $0x300  }
0x25: {  	[tilespmem:s23], [sflag:$0x7] =	stream.indirect.gather [hbm4b:s2+s10], $0x80, s7, s10, $0xb8;
	[tilespmem:$0x17400] =	vst v63  }
0x26: {  	s9 =	simm.s32 $0x380  }
0x27: {  	[tilespmem:s25], [sflag:$0x8] =	stream.indirect.gather [hbm4b:s2+s10], $0x80, s9, s10, $0xb8;
	[tilespmem:$0x17400] =	vst v63  }
0x28: {  	s6 =	simm.s32 $0x400  }
0x29: {  	[tilespmem:s28], [sflag:$0x9] =	stream.indirect.gather [hbm4b:s2+s10], $0x80, s6, s10, $0xb8;
	[tilespmem:$0x17400] =	vst v63  }
0x2a: {  	s7 =	simm.s32 $0x480  }
0x2b: {  	[tilespmem:s30], [sflag:$0xA] =	stream.indirect.gather [hbm4b:s2+s10], $0x80, s7, s10, $0xb8;
	[tilespmem:$0x17400] =	vst v63  }
0x2c: {  	_ =	swait.ge [sflag:s31], $0x2000  }
0x2d: {  	[sflag:s31] =	ssyncset.done $0x0  }
0x2e: {  	[sflag:s31] =	ssyncadd.s32 $0xFFFFE000  }
0x2f: {  	_ =	swait.ge [sflag:s1], $0x2000  }
0x30: {  	[sflag:s1] =	ssyncset.done $0x0  }
0x31: {  	[sflag:s1] =	ssyncadd.s32 $0xFFFFE000  }
0x32: {  	_ =	swait.ge [sflag:s0], $0x2000  }
0x33: {  	[sflag:s0] =	ssyncset.done $0x0  }
0x34: {  	[sflag:s0] =	ssyncadd.s32 $0xFFFFE000  }
0x35: {  	_ =	swait.ge [sflag:s12], $0x2000  }
0x36: {  	[sflag:s12] =	ssyncset.done $0x0  }
0x37: {  	[sflag:s12] =	ssyncadd.s32 $0xFFFFE000  }
0x38: {  	_ =	swait.ge [sflag:s14], $0x2000  }
0x39: {  	[sflag:s14] =	ssyncset.done $0x0  }
0x3a: {  	s9 =	sadd.s32 $0xFFFFEC00, s8;
	[sflag:s14] =	ssyncadd.s32 $0xFFFFE000  }
0x3b: {  	[hbm4b:s9+s3] =	stream.linear.scatter [tilespmem:s11], [sflag:$0xB], $0xA000, $0x38;
	[tilespmem:$0x17400] =	vst v63  }
0x3c: {  	_ =	swait.ge [sflag:s16], $0x2000  }
0x3d: {  	[sflag:s16] =	ssyncset.done $0x0  }
0x3e: {  	[sflag:s16] =	ssyncadd.s32 $0xFFFFE000  }
0x3f: {  	_ =	swait.ge [sflag:s18], $0x2000  }
0x40: {  	[sflag:s18] =	ssyncset.done $0x0  }
0x41: {  	[sflag:s18] =	ssyncadd.s32 $0xFFFFE000  }
0x42: {  	_ =	swait.ge [sflag:s20], $0x2000  }
0x43: {  	[sflag:s20] =	ssyncset.done $0x0  }
0x44: {  	[sflag:s20] =	ssyncadd.s32 $0xFFFFE000  }
0x45: {  	_ =	swait.ge [sflag:s22], $0x2000  }
0x46: {  	[sflag:s22] =	ssyncset.done $0x0  }
0x47: {  	[sflag:s22] =	ssyncadd.s32 $0xFFFFE000  }
0x48: {  	_ =	swait.ge [sflag:s24], $0x2000  }
0x49: {  	[sflag:s24] =	ssyncset.done $0x0  }
0x4a: {  	[sflag:s24] =	ssyncadd.s32 $0xFFFFE000  }
0x4b: {  	[hbm4b:s8+s3] =	stream.linear.scatter [tilespmem:s21], [sflag:$0xC], $0xA000, $0x38;
	[tilespmem:$0x17400] =	vst v63  }
0x4c: {  	_ =	swait.ge [sflag:s26], $0xA000  }
0x4d: {  	[sflag:s26] =	ssyncset.done $0x0  }
0x4e: {  	s6 =	simm.s32 $0x500;
	[sflag:s26] =	ssyncadd.s32 $0xFFFF6000  }
0x4f: {  	[tilespmem:s11], [sflag:$0x1] =	stream.indirect.gather [hbm4b:s2+s10], $0x80, s6, s10, $0xb8;
	[tilespmem:$0x17400] =	vst v63  }
0x50: {  	s7 =	simm.s32 $0x580  }
0x51: {  	[tilespmem:s13], [sflag:$0x2] =	stream.indirect.gather [hbm4b:s2+s10], $0x80, s7, s10, $0xb8;
	[tilespmem:$0x17400] =	vst v63  }
0x52: {  	s9 =	simm.s32 $0x600  }
0x53: {  	[tilespmem:s15], [sflag:$0x3] =	stream.indirect.gather [hbm4b:s2+s10], $0x80, s9, s10, $0xb8;
	[tilespmem:$0x17400] =	vst v63  }
0x54: {  	s6 =	simm.s32 $0x680  }
0x55: {  	[tilespmem:s17], [sflag:$0x4] =	stream.indirect.gather [hbm4b:s2+s10], $0x80, s6, s10, $0xb8;
	[tilespmem:$0x17400] =	vst v63  }
0x56: {  	s7 =	simm.s32 $0x700  }
0x57: {  	[tilespmem:s19], [sflag:$0x5] =	stream.indirect.gather [hbm4b:s2+s10], $0x80, s7, s10, $0xb8;
	[tilespmem:$0x17400] =	vst v63  }
0x58: {  	_ =	swait.ge [sflag:s29], $0xA000  }
0x59: {  	[sflag:s29] =	ssyncset.done $0x0  }
0x5a: {  	s9 =	simm.s32 $0x780;
	[sflag:s29] =	ssyncadd.s32 $0xFFFF6000  }
0x5b: {  	[tilespmem:s21], [sflag:$0x6] =	stream.indirect.gather [hbm4b:s2+s10], $0x80, s9, s10, $0xb8;
	[tilespmem:$0x17400] =	vst v63  }
0x5c: {  	s6 =	simm.s32 $0x800  }
0x5d: {  	[tilespmem:s23], [sflag:$0x7] =	stream.indirect.gather [hbm4b:s2+s10], $0x80, s6, s10, $0xb8;
	[tilespmem:$0x17400] =	vst v63  }
0x5e: {  	s5 =	simm.s32 $0x1400;
	s7 =	simm.s32 $0x880  }
0x5f: {  	[tilespmem:s25], [sflag:$0x8] =	stream.indirect.gather [hbm4b:s2+s10], $0x80, s7, s10, $0xb8;
	[tilespmem:$0x17400] =	vst v63  }
0x60: {  	s9 =	simm.s32 $0x900;
	s6 =	sadd.s32 $0x2800, s8;
	s7 =	simm.s32 $0x980  }
0x61: {  	[tilespmem:s28], [sflag:$0x9] =	stream.indirect.gather [hbm4b:s2+s10], $0x80, s9, s10, $0xb8;
	[tilespmem:$0x17400] =	vst v63  }
.LBB2_2:
0x62: {  	[tilespmem:s30], [sflag:$0xA] =	stream.indirect.gather [hbm4b:s2+s10], $0x80, s7, s10, $0xb8;
	[tilespmem:$0x17400] =	vst v63  }
0x63: {  	s7 =	smov.u32 s5  }
0x64: {  	p0 =	sne.s32 s5, $0xA000;
	s5 =	sadd.s32 $0x1400, s5;
	_ =	swait.ge [sflag:s31], $0x2000  }
0x65: {  	[sflag:s31] =	ssyncset.done $0x0  }
0x66: {  	[sflag:s31] =	ssyncadd.s32 $0xFFFFE000  }
0x67: {  	_ =	swait.ge [sflag:s1], $0x2000  }
0x68: {  	[sflag:s1] =	ssyncset.done $0x0  }
0x69: {  	[sflag:s1] =	ssyncadd.s32 $0xFFFFE000  }
0x6a: {  	_ =	swait.ge [sflag:s0], $0x2000  }
0x6b: {  	[sflag:s0] =	ssyncset.done $0x0  }
0x6c: {  	[sflag:s0] =	ssyncadd.s32 $0xFFFFE000  }
0x6d: {  	_ =	swait.ge [sflag:s12], $0x2000  }
0x6e: {  	[sflag:s12] =	ssyncset.done $0x0  }
0x6f: {  	[sflag:s12] =	ssyncadd.s32 $0xFFFFE000  }
0x70: {  	_ =	swait.ge [sflag:s14], $0x2000  }
0x71: {  	[sflag:s14] =	ssyncset.done $0x0  }
0x72: {  	s9 =	sadd.s32 $0xFFFFEC00, s6;
	[sflag:s14] =	ssyncadd.s32 $0xFFFFE000  }
0x73: {  	[hbm4b:s9+s3] =	stream.linear.scatter [tilespmem:s11], [sflag:$0xB], $0xA000, $0x38;
	[tilespmem:$0x17400] =	vst v63  }
0x74: {  	_ =	swait.ge [sflag:s16], $0x2000  }
0x75: {  	[sflag:s16] =	ssyncset.done $0x0  }
0x76: {  	[sflag:s16] =	ssyncadd.s32 $0xFFFFE000  }
0x77: {  	_ =	swait.ge [sflag:s18], $0x2000  }
0x78: {  	[sflag:s18] =	ssyncset.done $0x0  }
0x79: {  	[sflag:s18] =	ssyncadd.s32 $0xFFFFE000  }
0x7a: {  	_ =	swait.ge [sflag:s20], $0x2000  }
0x7b: {  	[sflag:s20] =	ssyncset.done $0x0  }
0x7c: {  	[sflag:s20] =	ssyncadd.s32 $0xFFFFE000  }
0x7d: {  	_ =	swait.ge [sflag:s22], $0x2000  }
0x7e: {  	[sflag:s22] =	ssyncset.done $0x0  }
0x7f: {  	[sflag:s22] =	ssyncadd.s32 $0xFFFFE000  }
0x80: {  	_ =	swait.ge [sflag:s24], $0x2000  }
0x81: {  	[sflag:s24] =	ssyncset.done $0x0  }
0x82: {  	[sflag:s24] =	ssyncadd.s32 $0xFFFFE000  }
0x83: {  	[hbm4b:s6+s3] =	stream.linear.scatter [tilespmem:s21], [sflag:$0xC], $0xA000, $0x38;
	[tilespmem:$0x17400] =	vst v63  }
0x84: {  	_ =	swait.ge [sflag:s26], $0xA000  }
0x85: {  	s7 =	sshra.s32 s7, $0x2;
	[sflag:s26] =	ssyncset.done $0x0  }
0x86: {  	s9 =	sadd.s32 $0x500, s7;
	[sflag:s26] =	ssyncadd.s32 $0xFFFF6000  }
0x87: {  	[tilespmem:s11], [sflag:$0x1] =	stream.indirect.gather [hbm4b:s2+s10], $0x80, s9, s10, $0xb8;
	[tilespmem:$0x17400] =	vst v63  }
0x88: {  	s9 =	sadd.s32 $0x580, s7  }
0x89: {  	[tilespmem:s13], [sflag:$0x2] =	stream.indirect.gather [hbm4b:s2+s10], $0x80, s9, s10, $0xb8;
	[tilespmem:$0x17400] =	vst v63  }
0x8a: {  	s9 =	sadd.s32 $0x600, s7  }
0x8b: {  	[tilespmem:s15], [sflag:$0x3] =	stream.indirect.gather [hbm4b:s2+s10], $0x80, s9, s10, $0xb8;
	[tilespmem:$0x17400] =	vst v63  }
0x8c: {  	s9 =	sadd.s32 $0x680, s7  }
0x8d: {  	[tilespmem:s17], [sflag:$0x4] =	stream.indirect.gather [hbm4b:s2+s10], $0x80, s9, s10, $0xb8;
	[tilespmem:$0x17400] =	vst v63  }
0x8e: {  	s9 =	sadd.s32 $0x700, s7  }
0x8f: {  	[tilespmem:s19], [sflag:$0x5] =	stream.indirect.gather [hbm4b:s2+s10], $0x80, s9, s10, $0xb8;
	[tilespmem:$0x17400] =	vst v63  }
0x90: {  	_ =	swait.ge [sflag:s29], $0xA000  }
0x91: {  	[sflag:s29] =	ssyncset.done $0x0  }
0x92: {  	s9 =	sadd.s32 $0x780, s7;
	[sflag:s29] =	ssyncadd.s32 $0xFFFF6000  }
0x93: {  	[tilespmem:s21], [sflag:$0x6] =	stream.indirect.gather [hbm4b:s2+s10], $0x80, s9, s10, $0xb8;
	[tilespmem:$0x17400] =	vst v63  }
0x94: {  	s9 =	sadd.s32 $0x800, s7  }
0x95: {  	[tilespmem:s23], [sflag:$0x7] =	stream.indirect.gather [hbm4b:s2+s10], $0x80, s9, s10, $0xb8;
	[tilespmem:$0x17400] =	vst v63  }
.Ltmp0:
0x96: {  	s9 =	sadd.s32 $0x880, s7;
	(pc) =	sbr.rel @p0 .LBB2_2-.Ltmp0, $4  }
0x97: {  	[tilespmem:s25], [sflag:$0x8] =	stream.indirect.gather [hbm4b:s2+s10], $0x80, s9, s10, $0xb8;
	[tilespmem:$0x17400] =	vst v63  }
0x98: {  	s9 =	sadd.s32 $0x900, s7  }
0x99: {  	[tilespmem:s28], [sflag:$0x9] =	stream.indirect.gather [hbm4b:s2+s10], $0x80, s9, s10, $0xb8;
	[tilespmem:$0x17400] =	vst v63  }
0x9a: {  	s6 =	sadd.s32 $0x2800, s6;
	s7 =	sadd.s32 $0x980, s7  }
0x9b: {  	[tilespmem:s30], [sflag:$0xA] =	stream.indirect.gather [hbm4b:s2+s10], $0x80, s7, s10, $0xb8;
	[tilespmem:$0x17400] =	vst v63  }
0x9c: {  	_ =	swait.ge [sflag:s31], $0x2000  }
0x9d: {  	[sflag:s31] =	ssyncset.done $0x0  }
0x9e: {  	[sflag:s31] =	ssyncadd.s32 $0xFFFFE000  }
0x9f: {  	_ =	swait.ge [sflag:s1], $0x2000  }
0xa0: {  	[sflag:s1] =	ssyncset.done $0x0  }
0xa1: {  	[sflag:s1] =	ssyncadd.s32 $0xFFFFE000  }
0xa2: {  	_ =	swait.ge [sflag:s0], $0x2000  }
0xa3: {  	[sflag:s0] =	ssyncset.done $0x0  }
0xa4: {  	[sflag:s0] =	ssyncadd.s32 $0xFFFFE000  }
0xa5: {  	_ =	swait.ge [sflag:s12], $0x2000  }
0xa6: {  	[sflag:s12] =	ssyncset.done $0x0  }
0xa7: {  	[sflag:s12] =	ssyncadd.s32 $0xFFFFE000  }
0xa8: {  	_ =	swait.ge [sflag:s14], $0x2000  }
0xa9: {  	[sflag:s14] =	ssyncset.done $0x0  }
0xaa: {  	s5 =	rddreg [dreg:$0x6];
	[sflag:s14] =	ssyncadd.s32 $0xFFFFE000  }
0xab: {  	[hbm4b:s5+s3] =	stream.linear.scatter [tilespmem:s11], [sflag:$0xB], $0xA000, $0x38;
	[tilespmem:$0x17400] =	vst v63  }
0xac: {  	_ =	swait.ge [sflag:s16], $0x2000  }
0xad: {  	[sflag:s16] =	ssyncset.done $0x0  }
0xae: {  	[sflag:s16] =	ssyncadd.s32 $0xFFFFE000  }
0xaf: {  	_ =	swait.ge [sflag:s18], $0x2000  }
0xb0: {  	[sflag:s18] =	ssyncset.done $0x0  }
0xb1: {  	[sflag:s18] =	ssyncadd.s32 $0xFFFFE000  }
0xb2: {  	_ =	swait.ge [sflag:s20], $0x2000  }
0xb3: {  	[sflag:s20] =	ssyncset.done $0x0  }
0xb4: {  	[sflag:s20] =	ssyncadd.s32 $0xFFFFE000  }
0xb5: {  	_ =	swait.ge [sflag:s22], $0x2000  }
0xb6: {  	[sflag:s22] =	ssyncset.done $0x0  }
0xb7: {  	[sflag:s22] =	ssyncadd.s32 $0xFFFFE000  }
0xb8: {  	_ =	swait.ge [sflag:s24], $0x2000  }
0xb9: {  	[sflag:s24] =	ssyncset.done $0x0  }
0xba: {  	s7 =	rddreg [dreg:$0x7];
	[sflag:s24] =	ssyncadd.s32 $0xFFFFE000  }
0xbb: {  	[hbm4b:s7+s3] =	stream.linear.scatter [tilespmem:s21], [sflag:$0xC], $0xA000, $0x38;
	[tilespmem:$0x17400] =	vst v63  }
0xbc: {  	_ =	swait.ge [sflag:s26], $0xA000  }
0xbd: {  	[sflag:s26] =	ssyncset.done $0x0  }
0xbe: {  	[sflag:s26] =	ssyncadd.s32 $0xFFFF6000  }
0xbf: {  	_ =	swait.ge [sflag:s29], $0xA000  }
0xc0: {  	s4 =	sadd.s32 $0x1, s4;
	s9 =	rddreg [dreg:$0x5]  }
0xc1: {  	p0 =	sne.s32 s4, s9  }
.Ltmp1:
0xc2: {  	_ = 	snop;
	(pc) =	sbr.rel @p0 .LBB2_1-.Ltmp1, $3  }
0xc3: {  	_ =	sdelay $0x1  }
0xc4: {  	[sflag:s29] =	ssyncset.done $0x0  }
0xc5: {  	[sflag:s29] =	ssyncadd.s32 $0xFFFF6000  }
0xc6: {  	_ =	sfence.sel $0x180000  }
0xc7: {  	[bflag:$0x0] =	sbarrier.arrive $0xFFFF  }
0xc8: {  	_ =	strace $0x90000047  }
0xc9: {  	s0 =	stileid.u32;
	[bflag:$0x2] =	sbarrier.arrive $0xFFFF  }
0xca: {  	p0 =	sne.s32 s0, $0x0;
	s0 =	rddreg [dreg:$0x3]  }
0xcb: {  	s0 =	sadd.s32 @!p0 $0x100000, s0  }
0xcc: {  	[sflag:s0] =	ssyncadd.tile.s32 @!p0 $0x1;
	_ =	shalt  }
.Lfunc_end2:
_tile_overlayer_lowered:
.L_overlay_start_2:
0xcd: {  	(tag) =	ssettag $0x2  }
0xce: {  	s0 =	rddreg [dreg:$0x0];
	s2 =	stileid.u32  }
0xcf: {  	s1 =	rddreg [dreg:$0x1];
	p0 =	sne.s32 s2, $0x0  }
0xd0: {  	s3 =	rddreg [dreg:$0x2];
	[bflag:$0x3] =	sbarrier.arrive $0xFFFF;
	s2 =	simm.s32 @!p0 $0x1C0D  }
0xd1: {  	[timem:s3], [sflag:s2] =	dma.local @!p0 [hbm:s0], s1  }
0xd2: {  	s0 =	simm.s32 @!p0 $0xD  }
0xd3: {  	_ =	swait.ge @!p0 [sflag:s0], s1  }
0xd4: {  	s1 =	ssub.s32 @!p0 $0x0, s1;
	[sflag:s0] =	ssyncset.done @!p0 $0x0  }
0xd5: {  	[sflag:s0] =	ssyncadd.s32 @!p0 s1  }
0xd6: {  	[bflag:$0x3] =	sbarrier.arrive $0xFFFF  }
0xd7: {  	_ =	shalt  }

</sc_bundles>
